<compile_context>
chip_gen: v7x
topology: tpu7x:2x2x1
jax: 0.10.2.dev20260603
libtpu: 0.0.44.dev20260713+nightly
codegen_flags: <defaults>
</compile_context>

<pallas_src>
import functools

import jax
import jax.numpy as jnp
from jax import lax
from jax.experimental import pallas as pl
from jax.experimental.pallas import tpu as pltpu
from jax.experimental.pallas import tpu_sc as plsc

D = 128
N_PROB = 80
LITS_PER = 500
HALF = 250
HALF_PAD = 256
NL2 = N_PROB * HALF_PAD * 2
HALF_ROWS = N_PROB * HALF_PAD
N_CLAUSES = 10000
NC_PAD = 10240



def _clause_lstm_body(p0, p1, h, c, wih, whh, b, h_out, c_out):
    gates = (
        jnp.dot(p0[0] + p1[0], wih[...], preferred_element_type=jnp.float32)
        + jnp.dot(h[...], whh[...], preferred_element_type=jnp.float32)
        + b[...]
    )
    i = jax.nn.sigmoid(gates[:, :D])
    f = jax.nn.sigmoid(gates[:, D:2 * D])
    g = jnp.tanh(gates[:, 2 * D:3 * D])
    o = jax.nn.sigmoid(gates[:, 3 * D:])
    c_new = f * c[...] + i * g
    h_out[...] = o * jnp.tanh(c_new)
    c_out[...] = c_new


def _clause_lstm(p, h, c, wih_t, whh_t, b):
    blk = 2000
    grid = N_CLAUSES // blk
    row = pl.BlockSpec((blk, D), lambda j: (j, 0))
    p0 = pl.BlockSpec((1, blk, D), lambda j: (0, j, 0))
    p1 = pl.BlockSpec((1, blk, D), lambda j: (1, j, 0))
    full = pl.BlockSpec((D, 4 * D), lambda j: (0, 0))
    bias = pl.BlockSpec((1, 4 * D), lambda j: (0, 0))
    return pl.pallas_call(
        _clause_lstm_body,
        grid=(grid,),
        in_specs=[p0, p1, row, row, full, full, bias],
        out_specs=[row, row],
        out_shape=[
            jax.ShapeDtypeStruct((N_CLAUSES, D), jnp.float32),
            jax.ShapeDtypeStruct((N_CLAUSES, D), jnp.float32),
        ],
    )(p, p, h, c, wih_t, whh_t, b)


def _lit_lstm_body(msg, hf, h, c, wm, wf, whh, b, h_out, c_out):
    gates = (
        jnp.dot(msg[...], wm[...], preferred_element_type=jnp.float32)
        + jnp.dot(hf[...], wf[...], preferred_element_type=jnp.float32)
        + jnp.dot(h[...], whh[...], preferred_element_type=jnp.float32)
        + b[...]
    )
    i = jax.nn.sigmoid(gates[:, :D])
    f = jax.nn.sigmoid(gates[:, D:2 * D])
    g = jnp.tanh(gates[:, 2 * D:3 * D])
    o = jax.nn.sigmoid(gates[:, 3 * D:])
    c_new = f * c[...] + i * g
    h_out[...] = o * jnp.tanh(c_new)
    c_out[...] = c_new


def _lit_lstm(msg, h, c, wm_t, wf_t, whh_t, b):
    blk = 4096
    grid = NL2 // blk
    row = pl.BlockSpec((blk, D), lambda j: (j, 0))
    flip = pl.BlockSpec((blk, D), lambda j: ((j + grid // 2) % grid, 0))
    full = pl.BlockSpec((D, 4 * D), lambda j: (0, 0))
    bias = pl.BlockSpec((1, 4 * D), lambda j: (0, 0))
    return pl.pallas_call(
        _lit_lstm_body,
        grid=(grid,),
        in_specs=[row, flip, row, row, full, full, full, bias],
        out_specs=[row, row],
        out_shape=[
            jax.ShapeDtypeStruct((NL2, D), jnp.float32),
            jax.ShapeDtypeStruct((NL2, D), jnp.float32),
        ],
    )(msg, h, h, c, wm_t, wf_t, whh_t, b)


_VOTE_PB = 8
_VOTE_ROWS = _VOTE_PB * HALF_PAD


def _vote_body(xa, xb, w, out):
    wv = w[0, :]
    mask = lax.broadcasted_iota(jnp.int32, (_VOTE_PB, HALF_PAD, D), 1) < HALF
    sa = jnp.sum(jnp.where(mask, (xa[...] * wv[None, :]).reshape(
        _VOTE_PB, HALF_PAD, D), 0.0), axis=(1, 2))
    sb = jnp.sum(jnp.where(mask, (xb[...] * wv[None, :]).reshape(
        _VOTE_PB, HALF_PAD, D), 0.0), axis=(1, 2))
    out[...] = jnp.broadcast_to(
        ((sa + sb) * (1.0 / LITS_PER))[:, None], (_VOTE_PB, D))


def _vote(x, w):
    nblk = N_PROB // _VOTE_PB
    blka = pl.BlockSpec((_VOTE_ROWS, D), lambda j: (j, 0))
    blkb = pl.BlockSpec((_VOTE_ROWS, D), lambda j: (nblk + j, 0))
    wspec = pl.BlockSpec((1, D), lambda j: (0, 0))
    return pl.pallas_call(
        _vote_body,
        grid=(nblk,),
        in_specs=[blka, blkb, wspec],
        out_specs=pl.BlockSpec((_VOTE_PB, D), lambda j: (j, 0)),
        out_shape=jax.ShapeDtypeStruct((N_PROB, D), jnp.float32),
    )(x, x, w)



E = 320000
NSC = 2
NTL = 16
BLK = 80
EROWS = E // BLK
STRIPE = NC_PAD // NTL
ZROWS = 40

_SC_MESH = plsc.VectorSubcoreMesh(core_axis_name="c", subcore_axis_name="s")


CHUNK = 25
CHUNK_L = 50


@functools.partial(
    pl.kernel,
    mesh=_SC_MESH,
    out_type=jax.ShapeDtypeStruct((2 * NC_PAD, D), jnp.float32),
    scratch_types=[
        pltpu.VMEM((CHUNK, BLK), jnp.int32),
        pltpu.VMEM((CHUNK, BLK), jnp.int32),
        pltpu.VMEM((2, BLK, D), jnp.float32),
        pltpu.VMEM_SHARED((NC_PAD, D), jnp.float32),
        pltpu.SemaphoreType.DMA((2,)),
    ],
)
def _msg_c_sc(xl, lit4, cid4, zrows, out, idx_l, idx_c, rows, acc, sem):
    c = lax.axis_index("c")
    s = lax.axis_index("s")
    nch = E // (BLK * CHUNK * 2 * NTL)
    wid = c * NTL + s
    pltpu.sync_copy(zrows, acc.at[pl.ds(s * STRIPE, STRIPE)])
    plsc.subcore_barrier()

    def chunk(ch, carry):
        pltpu.sync_copy(lit4.at[wid, ch], idx_l)
        pltpu.sync_copy(cid4.at[wid, ch], idx_c)
        pltpu.async_copy(xl.at[idx_l.at[0]], rows.at[0], sem.at[0])
        pltpu.async_copy(xl.at[idx_l.at[1]], rows.at[1], sem.at[1])

        def blk(b, carry2):
            pltpu.make_async_copy(xl.at[idx_l.at[b]], rows.at[b % 2],
                                  sem.at[b % 2]).wait()
            pltpu.sync_copy(rows.at[b % 2], acc.at[idx_c.at[b]], add=True)
            nb = b + 2
            pltpu.async_copy(xl.at[idx_l.at[nb]], rows.at[nb % 2],
                             sem.at[nb % 2])
            return carry2

        lax.fori_loop(0, CHUNK - 2, blk, carry)

        def fin(b, carry2):
            pltpu.make_async_copy(xl.at[idx_l.at[b]], rows.at[b % 2],
                                  sem.at[b % 2]).wait()
            pltpu.sync_copy(rows.at[b % 2], acc.at[idx_c.at[b]], add=True)
            return carry2

        lax.fori_loop(CHUNK - 2, CHUNK, fin, carry)
        return carry

    lax.fori_loop(0, nch, chunk, 0)
    plsc.subcore_barrier()
    pltpu.sync_copy(acc.at[pl.ds(s * STRIPE, STRIPE)],
                    out.at[pl.ds(c * NC_PAD + s * STRIPE, STRIPE)])


@functools.partial(
    pl.kernel,
    mesh=_SC_MESH,
    out_type=jax.ShapeDtypeStruct((NL2, D), jnp.float32),
    scratch_types=[
        pltpu.VMEM((CHUNK_L, BLK), jnp.int32),
        pltpu.VMEM((CHUNK_L, BLK), jnp.int32),
        pltpu.VMEM((CHUNK_L, BLK), jnp.int32),
        pltpu.VMEM((2, BLK, D), jnp.float32),
        pltpu.VMEM_SHARED((NC_PAD, D), jnp.float32),
        pltpu.SemaphoreType.DMA((2,)),
    ],
)
def _msg_l_sc(xc, lit4, cid4, zrows, out, idx_l, idx_c, idx_s, rows, acc, sem):
    c = lax.axis_index("c")
    s = lax.axis_index("s")
    nch = EROWS // (NTL * CHUNK_L)
    li = lax.iota(jnp.int32, 16)
    dump = ((s * 2 + lax.shift_right_logical(li, 3)) * HALF_PAD
            + HALF + (li & 3))

    for rr in range(2):
        base = (c * 2 + rr) * NC_PAD
        pltpu.sync_copy(zrows, acc.at[pl.ds(s * STRIPE, STRIPE)])
        plsc.subcore_barrier()

        def strip(ch, carry):
            pltpu.sync_copy(lit4.at[s, ch], idx_l)
            pltpu.sync_copy(cid4.at[s, ch], idx_c)
            pltpu.async_copy(xc.at[idx_c.at[0]], rows.at[0], sem.at[0])
            pltpu.async_copy(xc.at[idx_c.at[1]], rows.at[1], sem.at[1])

            def tr(i, carry2):
                row = i // (BLK // 16)
                lane = (i % (BLK // 16)) * 16
                v = idx_l[row, pl.ds(lane, 16)]
                local = v - base
                ok = (local >= 0) & (local < NC_PAD)
                idx_s[row, pl.ds(lane, 16)] = jnp.where(ok, local, dump)
                return carry2

            lax.fori_loop(0, CHUNK_L * (BLK // 16), tr, 0)

            def blk(b, carry2):
                pltpu.make_async_copy(xc.at[idx_c.at[b]], rows.at[b % 2],
                                      sem.at[b % 2]).wait()
                pltpu.sync_copy(rows.at[b % 2], acc.at[idx_s.at[b]], add=True)
                nb = b + 2
                pltpu.async_copy(xc.at[idx_c.at[nb]], rows.at[nb % 2],
                                 sem.at[nb % 2])
                return carry2

            lax.fori_loop(0, CHUNK_L - 2, blk, 0)

            def fin(b, carry2):
                pltpu.make_async_copy(xc.at[idx_c.at[b]], rows.at[b % 2],
                                      sem.at[b % 2]).wait()
                pltpu.sync_copy(rows.at[b % 2], acc.at[idx_s.at[b]], add=True)
                return carry2

            lax.fori_loop(CHUNK_L - 2, CHUNK_L, fin, 0)
            return carry

        lax.fori_loop(0, nch, strip, 0)
        plsc.subcore_barrier()
        pltpu.sync_copy(acc.at[pl.ds(s * STRIPE, STRIPE)],
                        out.at[pl.ds(base + s * STRIPE, STRIPE)])
        plsc.subcore_barrier()


def _msg_to_clauses(x_l_state, lit4c, cid4c, zrows):
    p = _msg_c_sc(x_l_state, lit4c, cid4c, zrows)
    return p.reshape(2, NC_PAD, D)


def _msg_to_lits(x_c_state, lit4l, cid4l, zrows):
    return _msg_l_sc(x_c_state, lit4l, cid4l, zrows)




def kernel(x_l, x_c, C_init_W, C_init_b, W_ih_C, W_hh_C, b_ih_C, b_hh_C,
           W_ih_L, W_hh_L, b_ih_L, b_hh_L, L_vote_W, L_vote_b,
           clause_idx, lit_idx, x_l_batch, num_iters):
    xl4 = x_l.reshape(N_PROB, 2, HALF, D)
    xl4 = jnp.pad(xl4, ((0, 0), (0, 0), (0, HALF_PAD - HALF), (0, 0)))
    x_l2 = jnp.transpose(xl4, (1, 0, 2, 3)).reshape(NL2, D)

    lit = lit_idx.astype(jnp.int32)
    p = lit // LITS_PER
    w = lit % LITS_PER
    lit2 = jnp.where(w < HALF, p * HALF_PAD + w,
                     HALF_ROWS + p * HALF_PAD + (w - HALF))
    cidx = clause_idx.astype(jnp.int32)
    lit4c = lit2.reshape(2 * NTL, -1, CHUNK, BLK)
    cid4c = cidx.reshape(2 * NTL, -1, CHUNK, BLK)
    lit4l = lit2.reshape(NTL, -1, CHUNK_L, BLK)
    cid4l = cidx.reshape(NTL, -1, CHUNK_L, BLK)
    zrows = jnp.zeros((STRIPE, D), jnp.float32)

    wih_c_t = W_ih_C.T
    whh_c_t = W_hh_C.T
    b_c = (b_ih_C + b_hh_C)[None, :]
    wm_t = W_ih_L[:, :D].T
    wf_t = W_ih_L[:, D:].T
    whh_l_t = W_hh_L.T
    b_l = (b_ih_L + b_hh_L)[None, :]

    c0 = C_init_W[:, 0] + C_init_b
    x_c_state = jnp.tile(c0[None, :], (N_CLAUSES, 1))
    x_c_h = jnp.zeros((N_CLAUSES, D), jnp.float32)
    x_l_state = x_l2
    x_l_h = jnp.zeros((NL2, D), jnp.float32)

    def body(t, carry):
        x_l_state, x_l_h, x_c_state, x_c_h = carry
        pc = _msg_to_clauses(x_l_state, lit4c, cid4c, zrows)
        x_c_state, x_c_h = _clause_lstm(pc, x_c_state, x_c_h,
                                        wih_c_t, whh_c_t, b_c)
        msg_l = _msg_to_lits(x_c_state, lit4l, cid4l, zrows)
        x_l_state, x_l_h = _lit_lstm(msg_l, x_l_state, x_l_h,
                                     wm_t, wf_t, whh_l_t, b_l)
        return (x_l_state, x_l_h, x_c_state, x_c_h)

    x_l_state, x_l_h, x_c_state, x_c_h = lax.fori_loop(
        0, num_iters, body, (x_l_state, x_l_h, x_c_state, x_c_h))

    logits = _vote(x_l_state, L_vote_W)
    return logits[:, :1] + L_vote_b[None, :]

# --- scband reference (transcript-rebuilt; emitter-appended) ---
"""Pipeline reference for scband-neuro-sat-4621384810550 (READ-ONLY COPY).

The authoritative reference and input builder live on the scoring server;
editing this copy changes nothing except your own understanding.
"""

import jax, jax.numpy as jnp
import numpy as np

D = 128
N_LITS = 40000
N_CLAUSES = 10000
E = 320000
N_PROB = 80
LITS_PER = N_LITS // N_PROB


def lstm_cell(x, h, c, W_ih, W_hh, b_ih, b_hh):
    gates = x @ W_ih.T + b_ih + h @ W_hh.T + b_hh
    i, f, g, o = jnp.split(gates, 4, axis=1)
    i = jax.nn.sigmoid(i)
    f = jax.nn.sigmoid(f)
    g = jnp.tanh(g)
    o = jax.nn.sigmoid(o)
    c_new = f * c + i * g
    h_new = o * jnp.tanh(c_new)
    return h_new, c_new


def flip_perm(x_l_batch):
    n = x_l_batch.shape[0]
    lits_per = n // N_PROB
    assert lits_per % 2 == 0, 'The number of literals is not even.'
    nv = lits_per // 2
    within = jnp.arange(lits_per)
    swapped = jnp.where(within < nv, within + nv, within - nv)
    starts = jnp.arange(N_PROB) * lits_per
    return (starts[:, None] + swapped[None, :]).reshape(-1)


def setup_inputs(seed: int = 0):
    key = jax.random.key(seed)
    ks = jax.random.split(key, 14)
    s_d = float(1.0 / np.sqrt(D))
    inp = {}
    inp['x_l'] = jax.random.uniform(ks[0], (N_LITS, D), dtype=jnp.float32)
    inp['x_c'] = jnp.zeros((N_CLAUSES, D), dtype=jnp.float32)
    inp['C_init_W'] = jax.random.uniform(ks[3], (D, 1), minval=-1.0, maxval=1.0, dtype=jnp.float32)
    inp['C_init_b'] = jax.random.uniform(ks[4], (D,), minval=-1.0, maxval=1.0, dtype=jnp.float32)
    inp['W_ih_C'] = jax.random.uniform(ks[5], (4 * D, D), minval=-s_d, maxval=s_d, dtype=jnp.float32)
    inp['W_hh_C'] = jax.random.uniform(ks[6], (4 * D, D), minval=-s_d, maxval=s_d, dtype=jnp.float32)
    inp['b_ih_C'] = jax.random.uniform(ks[7], (4 * D,), minval=-s_d, maxval=s_d, dtype=jnp.float32)
    inp['b_hh_C'] = jax.random.uniform(ks[8], (4 * D,), minval=-s_d, maxval=s_d, dtype=jnp.float32)
    inp['W_ih_L'] = jax.random.uniform(ks[9], (4 * D, 2 * D), minval=-s_d, maxval=s_d, dtype=jnp.float32)
    inp['W_hh_L'] = jax.random.uniform(ks[10], (4 * D, D), minval=-s_d, maxval=s_d, dtype=jnp.float32)
    inp['b_ih_L'] = jax.random.uniform(ks[11], (4 * D,), minval=-s_d, maxval=s_d, dtype=jnp.float32)
    inp['b_hh_L'] = jax.random.uniform(ks[12], (4 * D,), minval=-s_d, maxval=s_d, dtype=jnp.float32)
    inp['L_vote_W'] = jax.random.uniform(ks[13], (1, D), minval=-s_d, maxval=s_d, dtype=jnp.float32)
    inp['L_vote_b'] = jnp.zeros((1,), dtype=jnp.float32)
    inp['clause_idx'] = jax.random.randint(ks[1], (E,), 0, N_CLAUSES)
    inp['lit_idx'] = jax.random.randint(ks[2], (E,), 0, N_LITS)
    inp['x_l_batch'] = jnp.repeat(jnp.arange(N_PROB), LITS_PER)
    inp['num_iters'] = 4
    return inp


def reference(x_l, x_c, C_init_W, C_init_b, W_ih_C, W_hh_C, b_ih_C, b_hh_C, W_ih_L, W_hh_L, b_ih_L, b_hh_L, L_vote_W, L_vote_b, clause_idx, lit_idx, x_l_batch, num_iters):
    perm = flip_perm(x_l_batch)
    n_lits = x_l.shape[0]
    n_clauses = x_c.shape[0]
    n_prob = N_PROB
    init_ts = jnp.ones((1,), dtype=jnp.float32)
    c0 = init_ts @ C_init_W.T + C_init_b
    x_c_state = jnp.tile(c0[None, :], (n_clauses, 1))
    x_l_state = x_l
    x_l_h = jnp.zeros_like(x_l_state)
    x_c_h = jnp.zeros_like(x_c_state)

    def body(t, carry):
        x_l_state, x_l_h, x_c_state, x_c_h = carry
        msg_c = jax.ops.segment_sum(jnp.take(x_l_state, lit_idx, axis=0), clause_idx, num_segments=n_clauses)
        x_c_new, x_c_h = lstm_cell(msg_c, x_c_state, x_c_h, W_ih_C, W_hh_C, b_ih_C, b_hh_C)
        msg_l = jax.ops.segment_sum(jnp.take(x_c_new, clause_idx, axis=0), lit_idx, num_segments=n_lits)
        msg_concat = jnp.concatenate([msg_l, jnp.take(x_l_state, perm, axis=0)], axis=1)
        x_l_state, x_l_h = lstm_cell(msg_concat, x_l_state, x_l_h, W_ih_L, W_hh_L, b_ih_L, b_hh_L)
        x_c_state = x_c_new
        return (x_l_state, x_l_h, x_c_state, x_c_h)

    x_l_state, x_l_h, x_c_state, x_c_h = jax.lax.fori_loop(0, num_iters, body, (x_l_state, x_l_h, x_c_state, x_c_h))
    x_l_vote = x_l_state @ L_vote_W.T + L_vote_b
    counts = jax.ops.segment_sum(jnp.ones((n_lits,), dtype=jnp.float32), x_l_batch, num_segments=n_prob)
    sums = jax.ops.segment_sum(x_l_vote, x_l_batch, num_segments=n_prob)
    logits_average_vote = sums / counts[:, None]
    return logits_average_vote

if __name__ == "__main__":
    import jax
    _d = setup_inputs()
    print(jax.jit(kernel)(*tuple(_d.values())))

</pallas_src>

<mosaic_0001>
#map = affine_map<(d0, d1) -> (0, 0)>
#map1 = affine_map<(d0, d1) -> (0, 0, 0, 0)>
module attributes {stable_mosaic.version = 14 : i64} {
  func.func @_msg_c_sc(%arg0: i32, %arg1: i32, %arg2: memref<40960x128xf32, #tpu.memory_space<hbm>>, %arg3: memref<32x5x25x80xi32, #tpu.memory_space<hbm>>, %arg4: memref<32x5x25x80xi32, #tpu.memory_space<hbm>>, %arg5: memref<640x128xf32, #tpu.memory_space<hbm>>, %arg6: memref<20480x128xf32, #tpu.memory_space<hbm>>, %arg7: memref<25x80xi32, #tpu.memory_space<vmem>>, %arg8: memref<25x80xi32, #tpu.memory_space<vmem>>, %arg9: memref<2x80x128xf32, #tpu.memory_space<vmem>>, %arg10: memref<10240x128xf32, #tpu.memory_space<vmem_shared>>, %arg11: memref<2x!tpu.dma_semaphore, #tpu.memory_space<semaphore_mem>>) attributes {dimension_semantics = [#tpu.dimension_semantics<core_parallel>, #tpu.dimension_semantics<subcore_parallel>], iteration_bounds = array<i64: 2, 16>, scalar_prefetch = 0 : i64, scratch_operands = 5 : i64, tpu.core_type = #tpu.core_type<sc_vector_subcore>, window_params = [{transform_indices = #map}, {transform_indices = #map1}, {transform_indices = #map1}, {transform_indices = #map}, {transform_indices = #map}]} {
    %mul3A = arith.constant 16 : i32
    %mul3A_0 = arith.muli %arg0, %mul3A : i32
    %add3A = arith.addi %mul3A_0, %arg1 : i32
    %mul3A_1 = arith.constant 640 : i32
    %mul3A_2 = arith.muli %arg1, %mul3A_1 : i32
    "tpu.region"() ({
      %run_scoped3A = tpu.sem_alloc : memref<!tpu.dma_semaphore, #tpu.memory_space<semaphore_mem>>
      %dma_start3A = arith.constant 0 : i32
      %dma_start3A_16 = tpu.memref_slice %arg10[%mul3A_2, %dma_start3A] : memref<10240x128xf32, #tpu.memory_space<vmem_shared>> -> memref<640x128xf32, #tpu.memory_space<vmem_shared>>
      tpu.enqueue_dma source(%arg5 : memref<640x128xf32, #tpu.memory_space<hbm>>) target(%dma_start3A_16 : memref<640x128xf32, #tpu.memory_space<vmem_shared>>) target_semaphore(%run_scoped3A : memref<!tpu.dma_semaphore, #tpu.memory_space<semaphore_mem>>)
      %dma_wait3A = arith.constant 0 : i32
      %dma_wait3A_17 = tpu.memref_slice %arg10[%mul3A_2, %dma_wait3A] : memref<10240x128xf32, #tpu.memory_space<vmem_shared>> -> memref<640x128xf32, #tpu.memory_space<vmem_shared>>
      tpu.wait_dma2 semaphore(%run_scoped3A : memref<!tpu.dma_semaphore, #tpu.memory_space<semaphore_mem>>) src(%arg5 : memref<640x128xf32, #tpu.memory_space<hbm>>) dst(%dma_wait3A_17 : memref<640x128xf32, #tpu.memory_space<vmem_shared>>)
      tpu.yield
    }) : () -> ()
    %barrier3A = arith.constant 0 : index
    tpu.barrier barrier_id(%barrier3A)
    %scan3A = arith.constant 0 : i32
    %scan3A_3 = arith.constant 0 : i32
    %scan3A_4 = arith.constant 5 : i32
    %scan3A_5 = arith.addi %scan3A_3, %scan3A_4 : i32
    %scan3A_6 = arith.constant 1 : i32
    scf.for %scan3A_16 = %scan3A_3 to %scan3A_5 step %scan3A_6  : i32 {
      "tpu.region"() ({
        %run_scoped3A = tpu.sem_alloc : memref<!tpu.dma_semaphore, #tpu.memory_space<semaphore_mem>>
        %dma_start3A_56 = arith.constant 0 : i32
        %dma_start3A_57 = arith.constant 0 : i32
        %dma_start3A_58 = tpu.memref_slice %arg3[%add3A, %scan3A_16, %dma_start3A_56, %dma_start3A_57] : memref<32x5x25x80xi32, #tpu.memory_space<hbm>> -> memref<1x1x25x80xi32, #tpu.memory_space<hbm>>
        %dma_start3A_59 = tpu.memref_squeeze %dma_start3A_58 : memref<1x1x25x80xi32, #tpu.memory_space<hbm>> -> memref<25x80xi32, #tpu.memory_space<hbm>>
        %dma_start3A_60 = arith.constant 0 : i32
        %dma_start3A_61 = arith.constant 0 : i32
        %dma_start3A_62 = tpu.memref_slice %arg3[%add3A, %scan3A_16, %dma_start3A_60, %dma_start3A_61] : memref<32x5x25x80xi32, #tpu.memory_space<hbm>> -> memref<1x1x25x80xi32, #tpu.memory_space<hbm>>
        %dma_start3A_63 = tpu.memref_squeeze %dma_start3A_62 : memref<1x1x25x80xi32, #tpu.memory_space<hbm>> -> memref<25x80xi32, #tpu.memory_space<hbm>>
        tpu.enqueue_dma source(%dma_start3A_63 : memref<25x80xi32, #tpu.memory_space<hbm>>) target(%arg7 : memref<25x80xi32, #tpu.memory_space<vmem>>) target_semaphore(%run_scoped3A : memref<!tpu.dma_semaphore, #tpu.memory_space<semaphore_mem>>)
        %dma_wait3A = arith.constant 0 : i32
        %dma_wait3A_64 = arith.constant 0 : i32
        %dma_wait3A_65 = tpu.memref_slice %arg3[%add3A, %scan3A_16, %dma_wait3A, %dma_wait3A_64] : memref<32x5x25x80xi32, #tpu.memory_space<hbm>> -> memref<1x1x25x80xi32, #tpu.memory_space<hbm>>
        %dma_wait3A_66 = tpu.memref_squeeze %dma_wait3A_65 : memref<1x1x25x80xi32, #tpu.memory_space<hbm>> -> memref<25x80xi32, #tpu.memory_space<hbm>>
        %dma_wait3A_67 = arith.constant 0 : i32
        %dma_wait3A_68 = arith.constant 0 : i32
        %dma_wait3A_69 = tpu.memref_slice %arg3[%add3A, %scan3A_16, %dma_wait3A_67, %dma_wait3A_68] : memref<32x5x25x80xi32, #tpu.memory_space<hbm>> -> memref<1x1x25x80xi32, #tpu.memory_space<hbm>>
        %dma_wait3A_70 = tpu.memref_squeeze %dma_wait3A_69 : memref<1x1x25x80xi32, #tpu.memory_space<hbm>> -> memref<25x80xi32, #tpu.memory_space<hbm>>
        tpu.wait_dma2 semaphore(%run_scoped3A : memref<!tpu.dma_semaphore, #tpu.memory_space<semaphore_mem>>) src(%dma_wait3A_70 : memref<25x80xi32, #tpu.memory_space<hbm>>) dst(%arg7 : memref<25x80xi32, #tpu.memory_space<vmem>>)
        tpu.yield
      }) : () -> ()
      "tpu.region"() ({
        %run_scoped3A = tpu.sem_alloc : memref<!tpu.dma_semaphore, #tpu.memory_space<semaphore_mem>>
        %dma_start3A_56 = arith.constant 0 : i32
        %dma_start3A_57 = arith.constant 0 : i32
        %dma_start3A_58 = tpu.memref_slice %arg4[%add3A, %scan3A_16, %dma_start3A_56, %dma_start3A_57] : memref<32x5x25x80xi32, #tpu.memory_space<hbm>> -> memref<1x1x25x80xi32, #tpu.memory_space<hbm>>
        %dma_start3A_59 = tpu.memref_squeeze %dma_start3A_58 : memref<1x1x25x80xi32, #tpu.memory_space<hbm>> -> memref<25x80xi32, #tpu.memory_space<hbm>>
        %dma_start3A_60 = arith.constant 0 : i32
        %dma_start3A_61 = arith.constant 0 : i32
        %dma_start3A_62 = tpu.memref_slice %arg4[%add3A, %scan3A_16, %dma_start3A_60, %dma_start3A_61] : memref<32x5x25x80xi32, #tpu.memory_space<hbm>> -> memref<1x1x25x80xi32, #tpu.memory_space<hbm>>
        %dma_start3A_63 = tpu.memref_squeeze %dma_start3A_62 : memref<1x1x25x80xi32, #tpu.memory_space<hbm>> -> memref<25x80xi32, #tpu.memory_space<hbm>>
        tpu.enqueue_dma source(%dma_start3A_63 : memref<25x80xi32, #tpu.memory_space<hbm>>) target(%arg8 : memref<25x80xi32, #tpu.memory_space<vmem>>) target_semaphore(%run_scoped3A : memref<!tpu.dma_semaphore, #tpu.memory_space<semaphore_mem>>)
        %dma_wait3A = arith.constant 0 : i32
        %dma_wait3A_64 = arith.constant 0 : i32
        %dma_wait3A_65 = tpu.memref_slice %arg4[%add3A, %scan3A_16, %dma_wait3A, %dma_wait3A_64] : memref<32x5x25x80xi32, #tpu.memory_space<hbm>> -> memref<1x1x25x80xi32, #tpu.memory_space<hbm>>
        %dma_wait3A_66 = tpu.memref_squeeze %dma_wait3A_65 : memref<1x1x25x80xi32, #tpu.memory_space<hbm>> -> memref<25x80xi32, #tpu.memory_space<hbm>>
        %dma_wait3A_67 = arith.constant 0 : i32
        %dma_wait3A_68 = arith.constant 0 : i32
        %dma_wait3A_69 = tpu.memref_slice %arg4[%add3A, %scan3A_16, %dma_wait3A_67, %dma_wait3A_68] : memref<32x5x25x80xi32, #tpu.memory_space<hbm>> -> memref<1x1x25x80xi32, #tpu.memory_space<hbm>>
        %dma_wait3A_70 = tpu.memref_squeeze %dma_wait3A_69 : memref<1x1x25x80xi32, #tpu.memory_space<hbm>> -> memref<25x80xi32, #tpu.memory_space<hbm>>
        tpu.wait_dma2 semaphore(%run_scoped3A : memref<!tpu.dma_semaphore, #tpu.memory_space<semaphore_mem>>) src(%dma_wait3A_70 : memref<25x80xi32, #tpu.memory_space<hbm>>) dst(%arg8 : memref<25x80xi32, #tpu.memory_space<vmem>>)
        tpu.yield
      }) : () -> ()
      %dma_start3A = arith.constant 0 : i32
      %dma_start3A_17 = arith.constant 0 : i32
      %dma_start3A_18 = arith.constant 0 : i32
      %dma_start3A_19 = arith.constant 0 : i32
      %dma_start3A_20 = arith.constant 0 : i32
      %dma_start3A_21 = tpu.memref_slice %arg9[%dma_start3A_17, %dma_start3A_19, %dma_start3A_20] : memref<2x80x128xf32, #tpu.memory_space<vmem>> -> memref<1x80x128xf32, #tpu.memory_space<vmem>>
      %dma_start3A_22 = tpu.memref_squeeze %dma_start3A_21 : memref<1x80x128xf32, #tpu.memory_space<vmem>> -> memref<80x128xf32, #tpu.memory_space<vmem>>
      %dma_start3A_23 = arith.constant 0 : i32
      %dma_start3A_24 = tpu.memref_slice %arg7[%dma_start3A, %dma_start3A_23] : memref<25x80xi32, #tpu.memory_space<vmem>> -> memref<1x80xi32, #tpu.memory_space<vmem>>
      %dma_start3A_25 = tpu.memref_squeeze %dma_start3A_24 : memref<1x80xi32, #tpu.memory_space<vmem>> -> memref<80xi32, #tpu.memory_space<vmem>>
      %dma_start3A_26 = arith.constant 0 : i32
      %dma_start3A_27 = arith.constant 0 : i32
      %dma_start3A_28 = tpu.memref_slice %arg2[%dma_start3A_26, %dma_start3A_27] : memref<40960x128xf32, #tpu.memory_space<hbm>> -> memref<40960x128xf32, #tpu.memory_space<hbm>>
      %dma_start3A_29 = tpu.memref_slice %arg11[%dma_start3A_18] : memref<2x!tpu.dma_semaphore, #tpu.memory_space<semaphore_mem>> -> memref<1x!tpu.dma_semaphore, #tpu.memory_space<semaphore_mem>>
      %dma_start3A_30 = tpu.memref_squeeze %dma_start3A_29 : memref<1x!tpu.dma_semaphore, #tpu.memory_space<semaphore_mem>> -> memref<!tpu.dma_semaphore, #tpu.memory_space<semaphore_mem>>
      tpu.enqueue_indirect_dma source(%dma_start3A_28 : memref<40960x128xf32, #tpu.memory_space<hbm>>) target(%dma_start3A_22 : memref<80x128xf32, #tpu.memory_space<vmem>>) offsets(%dma_start3A_25 : memref<80xi32, #tpu.memory_space<vmem>>) semaphore(%dma_start3A_30 : memref<!tpu.dma_semaphore, #tpu.memory_space<semaphore_mem>>)
      %dma_start3A_31 = arith.constant 1 : i32
      %dma_start3A_32 = arith.constant 1 : i32
      %dma_start3A_33 = arith.constant 1 : i32
      %dma_start3A_34 = arith.constant 0 : i32
      %dma_start3A_35 = arith.constant 0 : i32
      %dma_start3A_36 = tpu.memref_slice %arg9[%dma_start3A_32, %dma_start3A_34, %dma_start3A_35] : memref<2x80x128xf32, #tpu.memory_space<vmem>> -> memref<1x80x128xf32, #tpu.memory_space<vmem>>
      %dma_start3A_37 = tpu.memref_squeeze %dma_start3A_36 : memref<1x80x128xf32, #tpu.memory_space<vmem>> -> memref<80x128xf32, #tpu.memory_space<vmem>>
      %dma_start3A_38 = arith.constant 0 : i32
      %dma_start3A_39 = tpu.memref_slice %arg7[%dma_start3A_31, %dma_start3A_38] : memref<25x80xi32, #tpu.memory_space<vmem>> -> memref<1x80xi32, #tpu.memory_space<vmem>>
      %dma_start3A_40 = tpu.memref_squeeze %dma_start3A_39 : memref<1x80xi32, #tpu.memory_space<vmem>> -> memref<80xi32, #tpu.memory_space<vmem>>
      %dma_start3A_41 = arith.constant 0 : i32
      %dma_start3A_42 = arith.constant 0 : i32
      %dma_start3A_43 = tpu.memref_slice %arg2[%dma_start3A_41, %dma_start3A_42] : memref<40960x128xf32, #tpu.memory_space<hbm>> -> memref<40960x128xf32, #tpu.memory_space<hbm>>
      %dma_start3A_44 = tpu.memref_slice %arg11[%dma_start3A_33] : memref<2x!tpu.dma_semaphore, #tpu.memory_space<semaphore_mem>> -> memref<1x!tpu.dma_semaphore, #tpu.memory_space<semaphore_mem>>
      %dma_start3A_45 = tpu.memref_squeeze %dma_start3A_44 : memref<1x!tpu.dma_semaphore, #tpu.memory_space<semaphore_mem>> -> memref<!tpu.dma_semaphore, #tpu.memory_space<semaphore_mem>>
      tpu.enqueue_indirect_dma source(%dma_start3A_43 : memref<40960x128xf32, #tpu.memory_space<hbm>>) target(%dma_start3A_37 : memref<80x128xf32, #tpu.memory_space<vmem>>) offsets(%dma_start3A_40 : memref<80xi32, #tpu.memory_space<vmem>>) semaphore(%dma_start3A_45 : memref<!tpu.dma_semaphore, #tpu.memory_space<semaphore_mem>>)
      %scan3A_46 = arith.constant 0 : i32
      %scan3A_47 = arith.constant 23 : i32
      %scan3A_48 = arith.addi %scan3A_46, %scan3A_47 : i32
      %scan3A_49 = arith.constant 1 : i32
      scf.for %scan3A_56 = %scan3A_46 to %scan3A_48 step %scan3A_49  : i32 {
        %jit3A = arith.constant 2 : i32
        %eq3A = arith.constant 0 : i32
        %eq3A_57 = arith.cmpi eq, %jit3A, %eq3A : i32
        %jit3A_58 = arith.constant 1 : i32
        %select_n3A = arith.select %eq3A_57, %jit3A_58, %jit3A : i32
        %rem3A = arith.remsi %scan3A_56, %select_n3A : i32
        %ne3A = arith.constant 0 : i32
        %ne3A_59 = arith.cmpi ne, %rem3A, %ne3A : i32
        %lt3A = arith.constant 0 : i32
        %lt3A_60 = arith.cmpi slt, %rem3A, %lt3A : i32
        %lt3A_61 = arith.constant 0 : i32
        %lt3A_62 = arith.cmpi slt, %select_n3A, %lt3A_61 : i32
        %ne3A_63 = arith.xori %lt3A_60, %lt3A_62 : i1
        %and3A = arith.andi %ne3A_63, %ne3A_59 : i1
        %add3A_64 = arith.addi %rem3A, %select_n3A : i32
        %select_n3A_65 = arith.select %and3A, %add3A_64, %rem3A : i32
        %jit3A_66 = arith.constant 2 : i32
        %eq3A_67 = arith.constant 0 : i32
        %eq3A_68 = arith.cmpi eq, %jit3A_66, %eq3A_67 : i32
        %jit3A_69 = arith.constant 1 : i32
        %select_n3A_70 = arith.select %eq3A_68, %jit3A_69, %jit3A_66 : i32
        %rem3A_71 = arith.remsi %scan3A_56, %select_n3A_70 : i32
        %ne3A_72 = arith.constant 0 : i32
        %ne3A_73 = arith.cmpi ne, %rem3A_71, %ne3A_72 : i32
        %lt3A_74 = arith.constant 0 : i32
        %lt3A_75 = arith.cmpi slt, %rem3A_71, %lt3A_74 : i32
        %lt3A_76 = arith.constant 0 : i32
        %lt3A_77 = arith.cmpi slt, %select_n3A_70, %lt3A_76 : i32
        %ne3A_78 = arith.xori %lt3A_75, %lt3A_77 : i1
        %and3A_79 = arith.andi %ne3A_78, %ne3A_73 : i1
        %add3A_80 = arith.addi %rem3A_71, %select_n3A_70 : i32
        %select_n3A_81 = arith.select %and3A_79, %add3A_80, %rem3A_71 : i32
        %dma_wait3A = arith.constant 0 : i32
        %dma_wait3A_82 = arith.constant 0 : i32
        %dma_wait3A_83 = tpu.memref_slice %arg9[%select_n3A_65, %dma_wait3A, %dma_wait3A_82] : memref<2x80x128xf32, #tpu.memory_space<vmem>> -> memref<1x80x128xf32, #tpu.memory_space<vmem>>
        %dma_wait3A_84 = tpu.memref_squeeze %dma_wait3A_83 : memref<1x80x128xf32, #tpu.memory_space<vmem>> -> memref<80x128xf32, #tpu.memory_space<vmem>>
        %dma_wait3A_85 = arith.constant 0 : i32
        %dma_wait3A_86 = tpu.memref_slice %arg7[%scan3A_56, %dma_wait3A_85] : memref<25x80xi32, #tpu.memory_space<vmem>> -> memref<1x80xi32, #tpu.memory_space<vmem>>
        %dma_wait3A_87 = tpu.memref_squeeze %dma_wait3A_86 : memref<1x80xi32, #tpu.memory_space<vmem>> -> memref<80xi32, #tpu.memory_space<vmem>>
        %dma_wait3A_88 = arith.constant 0 : i32
        %dma_wait3A_89 = arith.constant 0 : i32
        %dma_wait3A_90 = tpu.memref_slice %arg2[%dma_wait3A_88, %dma_wait3A_89] : memref<40960x128xf32, #tpu.memory_space<hbm>> -> memref<40960x128xf32, #tpu.memory_space<hbm>>
        %dma_wait3A_91 = tpu.memref_slice %arg11[%select_n3A_81] : memref<2x!tpu.dma_semaphore, #tpu.memory_space<semaphore_mem>> -> memref<1x!tpu.dma_semaphore, #tpu.memory_space<semaphore_mem>>
        %dma_wait3A_92 = tpu.memref_squeeze %dma_wait3A_91 : memref<1x!tpu.dma_semaphore, #tpu.memory_space<semaphore_mem>> -> memref<!tpu.dma_semaphore, #tpu.memory_space<semaphore_mem>>
        tpu.wait_indirect_dma semaphore(%dma_wait3A_92 : memref<!tpu.dma_semaphore, #tpu.memory_space<semaphore_mem>>) src(%dma_wait3A_90 : memref<40960x128xf32, #tpu.memory_space<hbm>>) dst(%dma_wait3A_84 : memref<80x128xf32, #tpu.memory_space<vmem>>)
        %jit3A_93 = arith.constant 2 : i32
        %eq3A_94 = arith.constant 0 : i32
        %eq3A_95 = arith.cmpi eq, %jit3A_93, %eq3A_94 : i32
        %jit3A_96 = arith.constant 1 : i32
        %select_n3A_97 = arith.select %eq3A_95, %jit3A_96, %jit3A_93 : i32
        %rem3A_98 = arith.remsi %scan3A_56, %select_n3A_97 : i32
        %ne3A_99 = arith.constant 0 : i32
        %ne3A_100 = arith.cmpi ne, %rem3A_98, %ne3A_99 : i32
        %lt3A_101 = arith.constant 0 : i32
        %lt3A_102 = arith.cmpi slt, %rem3A_98, %lt3A_101 : i32
        %lt3A_103 = arith.constant 0 : i32
        %lt3A_104 = arith.cmpi slt, %select_n3A_97, %lt3A_103 : i32
        %ne3A_105 = arith.xori %lt3A_102, %lt3A_104 : i1
        %and3A_106 = arith.andi %ne3A_105, %ne3A_100 : i1
        %add3A_107 = arith.addi %rem3A_98, %select_n3A_97 : i32
        %select_n3A_108 = arith.select %and3A_106, %add3A_107, %rem3A_98 : i32
        "tpu.region"() ({
          %run_scoped3A = tpu.sem_alloc : memref<!tpu.dma_semaphore, #tpu.memory_space<semaphore_mem>>
          %dma_start3A_155 = arith.constant 0 : i32
          %dma_start3A_156 = arith.constant 0 : i32
          %dma_start3A_157 = tpu.memref_slice %arg9[%select_n3A_108, %dma_start3A_155, %dma_start3A_156] : memref<2x80x128xf32, #tpu.memory_space<vmem>> -> memref<1x80x128xf32, #tpu.memory_space<vmem>>
          %dma_start3A_158 = tpu.memref_squeeze %dma_start3A_157 : memref<1x80x128xf32, #tpu.memory_space<vmem>> -> memref<80x128xf32, #tpu.memory_space<vmem>>
          %dma_start3A_159 = arith.constant 0 : i32
          %dma_start3A_160 = tpu.memref_slice %arg8[%scan3A_56, %dma_start3A_159] : memref<25x80xi32, #tpu.memory_space<vmem>> -> memref<1x80xi32, #tpu.memory_space<vmem>>
          %dma_start3A_161 = tpu.memref_squeeze %dma_start3A_160 : memref<1x80xi32, #tpu.memory_space<vmem>> -> memref<80xi32, #tpu.memory_space<vmem>>
          %dma_start3A_162 = arith.constant 0 : i32
          %dma_start3A_163 = arith.constant 0 : i32
          %dma_start3A_164 = tpu.memref_slice %arg10[%dma_start3A_162, %dma_start3A_163] : memref<10240x128xf32, #tpu.memory_space<vmem_shared>> -> memref<10240x128xf32, #tpu.memory_space<vmem_shared>>
          tpu.enqueue_indirect_dma source(%dma_start3A_158 : memref<80x128xf32, #tpu.memory_space<vmem>>) target(%dma_start3A_164 : memref<10240x128xf32, #tpu.memory_space<vmem_shared>>) offsets(%dma_start3A_161 : memref<80xi32, #tpu.memory_space<vmem>>) semaphore(%run_scoped3A : memref<!tpu.dma_semaphore, #tpu.memory_space<semaphore_mem>>) {add = true}
          %dma_wait3A_165 = arith.constant 0 : i32
          %dma_wait3A_166 = arith.constant 0 : i32
          %dma_wait3A_167 = tpu.memref_slice %arg9[%select_n3A_108, %dma_wait3A_165, %dma_wait3A_166] : memref<2x80x128xf32, #tpu.memory_space<vmem>> -> memref<1x80x128xf32, #tpu.memory_space<vmem>>
          %dma_wait3A_168 = tpu.memref_squeeze %dma_wait3A_167 : memref<1x80x128xf32, #tpu.memory_space<vmem>> -> memref<80x128xf32, #tpu.memory_space<vmem>>
          %dma_wait3A_169 = arith.constant 0 : i32
          %dma_wait3A_170 = tpu.memref_slice %arg8[%scan3A_56, %dma_wait3A_169] : memref<25x80xi32, #tpu.memory_space<vmem>> -> memref<1x80xi32, #tpu.memory_space<vmem>>
          %dma_wait3A_171 = tpu.memref_squeeze %dma_wait3A_170 : memref<1x80xi32, #tpu.memory_space<vmem>> -> memref<80xi32, #tpu.memory_space<vmem>>
          %dma_wait3A_172 = arith.constant 0 : i32
          %dma_wait3A_173 = arith.constant 0 : i32
          %dma_wait3A_174 = tpu.memref_slice %arg10[%dma_wait3A_172, %dma_wait3A_173] : memref<10240x128xf32, #tpu.memory_space<vmem_shared>> -> memref<10240x128xf32, #tpu.memory_space<vmem_shared>>
          tpu.wait_indirect_dma semaphore(%run_scoped3A : memref<!tpu.dma_semaphore, #tpu.memory_space<semaphore_mem>>) src(%dma_wait3A_168 : memref<80x128xf32, #tpu.memory_space<vmem>>) dst(%dma_wait3A_174 : memref<10240x128xf32, #tpu.memory_space<vmem_shared>>)
          tpu.yield
        }) : () -> ()
        %add3A_109 = arith.constant 2 : i32
        %add3A_110 = arith.addi %scan3A_56, %add3A_109 : i32
        %jit3A_111 = arith.constant 2 : i32
        %eq3A_112 = arith.constant 0 : i32
        %eq3A_113 = arith.cmpi eq, %jit3A_111, %eq3A_112 : i32
        %jit3A_114 = arith.constant 1 : i32
        %select_n3A_115 = arith.select %eq3A_113, %jit3A_114, %jit3A_111 : i32
        %rem3A_116 = arith.remsi %add3A_110, %select_n3A_115 : i32
        %ne3A_117 = arith.constant 0 : i32
        %ne3A_118 = arith.cmpi ne, %rem3A_116, %ne3A_117 : i32
        %lt3A_119 = arith.constant 0 : i32
        %lt3A_120 = arith.cmpi slt, %rem3A_116, %lt3A_119 : i32
        %lt3A_121 = arith.constant 0 : i32
        %lt3A_122 = arith.cmpi slt, %select_n3A_115, %lt3A_121 : i32
        %ne3A_123 = arith.xori %lt3A_120, %lt3A_122 : i1
        %and3A_124 = arith.andi %ne3A_123, %ne3A_118 : i1
        %add3A_125 = arith.addi %rem3A_116, %select_n3A_115 : i32
        %select_n3A_126 = arith.select %and3A_124, %add3A_125, %rem3A_116 : i32
        %jit3A_127 = arith.constant 2 : i32
        %eq3A_128 = arith.constant 0 : i32
        %eq3A_129 = arith.cmpi eq, %jit3A_127, %eq3A_128 : i32
        %jit3A_130 = arith.constant 1 : i32
        %select_n3A_131 = arith.select %eq3A_129, %jit3A_130, %jit3A_127 : i32
        %rem3A_132 = arith.remsi %add3A_110, %select_n3A_131 : i32
        %ne3A_133 = arith.constant 0 : i32
        %ne3A_134 = arith.cmpi ne, %rem3A_132, %ne3A_133 : i32
        %lt3A_135 = arith.constant 0 : i32
        %lt3A_136 = arith.cmpi slt, %rem3A_132, %lt3A_135 : i32
        %lt3A_137 = arith.constant 0 : i32
        %lt3A_138 = arith.cmpi slt, %select_n3A_131, %lt3A_137 : i32
        %ne3A_139 = arith.xori %lt3A_136, %lt3A_138 : i1
        %and3A_140 = arith.andi %ne3A_139, %ne3A_134 : i1
        %add3A_141 = arith.addi %rem3A_132, %select_n3A_131 : i32
        %select_n3A_142 = arith.select %and3A_140, %add3A_141, %rem3A_132 : i32
        %dma_start3A_143 = arith.constant 0 : i32
        %dma_start3A_144 = arith.constant 0 : i32
        %dma_start3A_145 = tpu.memref_slice %arg9[%select_n3A_126, %dma_start3A_143, %dma_start3A_144] : memref<2x80x128xf32, #tpu.memory_space<vmem>> -> memref<1x80x128xf32, #tpu.memory_space<vmem>>
        %dma_start3A_146 = tpu.memref_squeeze %dma_start3A_145 : memref<1x80x128xf32, #tpu.memory_space<vmem>> -> memref<80x128xf32, #tpu.memory_space<vmem>>
        %dma_start3A_147 = arith.constant 0 : i32
        %dma_start3A_148 = tpu.memref_slice %arg7[%add3A_110, %dma_start3A_147] : memref<25x80xi32, #tpu.memory_space<vmem>> -> memref<1x80xi32, #tpu.memory_space<vmem>>
        %dma_start3A_149 = tpu.memref_squeeze %dma_start3A_148 : memref<1x80xi32, #tpu.memory_space<vmem>> -> memref<80xi32, #tpu.memory_space<vmem>>
        %dma_start3A_150 = arith.constant 0 : i32
        %dma_start3A_151 = arith.constant 0 : i32
        %dma_start3A_152 = tpu.memref_slice %arg2[%dma_start3A_150, %dma_start3A_151] : memref<40960x128xf32, #tpu.memory_space<hbm>> -> memref<40960x128xf32, #tpu.memory_space<hbm>>
        %dma_start3A_153 = tpu.memref_slice %arg11[%select_n3A_142] : memref<2x!tpu.dma_semaphore, #tpu.memory_space<semaphore_mem>> -> memref<1x!tpu.dma_semaphore, #tpu.memory_space<semaphore_mem>>
        %dma_start3A_154 = tpu.memref_squeeze %dma_start3A_153 : memref<1x!tpu.dma_semaphore, #tpu.memory_space<semaphore_mem>> -> memref<!tpu.dma_semaphore, #tpu.memory_space<semaphore_mem>>
        tpu.enqueue_indirect_dma source(%dma_start3A_152 : memref<40960x128xf32, #tpu.memory_space<hbm>>) target(%dma_start3A_146 : memref<80x128xf32, #tpu.memory_space<vmem>>) offsets(%dma_start3A_149 : memref<80xi32, #tpu.memory_space<vmem>>) semaphore(%dma_start3A_154 : memref<!tpu.dma_semaphore, #tpu.memory_space<semaphore_mem>>)
      }
      %scan3A_50 = arith.constant 23 : i32
      %scan3A_51 = arith.constant 23 : i32
      %scan3A_52 = arith.constant 2 : i32
      %scan3A_53 = arith.addi %scan3A_51, %scan3A_52 : i32
      %scan3A_54 = arith.constant 1 : i32
      scf.for %scan3A_56 = %scan3A_51 to %scan3A_53 step %scan3A_54  : i32 {
        %jit3A = arith.constant 2 : i32
        %eq3A = arith.constant 0 : i32
        %eq3A_57 = arith.cmpi eq, %jit3A, %eq3A : i32
        %jit3A_58 = arith.constant 1 : i32
        %select_n3A = arith.select %eq3A_57, %jit3A_58, %jit3A : i32
        %rem3A = arith.remsi %scan3A_56, %select_n3A : i32
        %ne3A = arith.constant 0 : i32
        %ne3A_59 = arith.cmpi ne, %rem3A, %ne3A : i32
        %lt3A = arith.constant 0 : i32
        %lt3A_60 = arith.cmpi slt, %rem3A, %lt3A : i32
        %lt3A_61 = arith.constant 0 : i32
        %lt3A_62 = arith.cmpi slt, %select_n3A, %lt3A_61 : i32
        %ne3A_63 = arith.xori %lt3A_60, %lt3A_62 : i1
        %and3A = arith.andi %ne3A_63, %ne3A_59 : i1
        %add3A_64 = arith.addi %rem3A, %select_n3A : i32
        %select_n3A_65 = arith.select %and3A, %add3A_64, %rem3A : i32
        %jit3A_66 = arith.constant 2 : i32
        %eq3A_67 = arith.constant 0 : i32
        %eq3A_68 = arith.cmpi eq, %jit3A_66, %eq3A_67 : i32
        %jit3A_69 = arith.constant 1 : i32
        %select_n3A_70 = arith.select %eq3A_68, %jit3A_69, %jit3A_66 : i32
        %rem3A_71 = arith.remsi %scan3A_56, %select_n3A_70 : i32
        %ne3A_72 = arith.constant 0 : i32
        %ne3A_73 = arith.cmpi ne, %rem3A_71, %ne3A_72 : i32
        %lt3A_74 = arith.constant 0 : i32
        %lt3A_75 = arith.cmpi slt, %rem3A_71, %lt3A_74 : i32
        %lt3A_76 = arith.constant 0 : i32
        %lt3A_77 = arith.cmpi slt, %select_n3A_70, %lt3A_76 : i32
        %ne3A_78 = arith.xori %lt3A_75, %lt3A_77 : i1
        %and3A_79 = arith.andi %ne3A_78, %ne3A_73 : i1
        %add3A_80 = arith.addi %rem3A_71, %select_n3A_70 : i32
        %select_n3A_81 = arith.select %and3A_79, %add3A_80, %rem3A_71 : i32
        %dma_wait3A = arith.constant 0 : i32
        %dma_wait3A_82 = arith.constant 0 : i32
        %dma_wait3A_83 = tpu.memref_slice %arg9[%select_n3A_65, %dma_wait3A, %dma_wait3A_82] : memref<2x80x128xf32, #tpu.memory_space<vmem>> -> memref<1x80x128xf32, #tpu.memory_space<vmem>>
        %dma_wait3A_84 = tpu.memref_squeeze %dma_wait3A_83 : memref<1x80x128xf32, #tpu.memory_space<vmem>> -> memref<80x128xf32, #tpu.memory_space<vmem>>
        %dma_wait3A_85 = arith.constant 0 : i32
        %dma_wait3A_86 = tpu.memref_slice %arg7[%scan3A_56, %dma_wait3A_85] : memref<25x80xi32, #tpu.memory_space<vmem>> -> memref<1x80xi32, #tpu.memory_space<vmem>>
        %dma_wait3A_87 = tpu.memref_squeeze %dma_wait3A_86 : memref<1x80xi32, #tpu.memory_space<vmem>> -> memref<80xi32, #tpu.memory_space<vmem>>
        %dma_wait3A_88 = arith.constant 0 : i32
        %dma_wait3A_89 = arith.constant 0 : i32
        %dma_wait3A_90 = tpu.memref_slice %arg2[%dma_wait3A_88, %dma_wait3A_89] : memref<40960x128xf32, #tpu.memory_space<hbm>> -> memref<40960x128xf32, #tpu.memory_space<hbm>>
        %dma_wait3A_91 = tpu.memref_slice %arg11[%select_n3A_81] : memref<2x!tpu.dma_semaphore, #tpu.memory_space<semaphore_mem>> -> memref<1x!tpu.dma_semaphore, #tpu.memory_space<semaphore_mem>>
        %dma_wait3A_92 = tpu.memref_squeeze %dma_wait3A_91 : memref<1x!tpu.dma_semaphore, #tpu.memory_space<semaphore_mem>> -> memref<!tpu.dma_semaphore, #tpu.memory_space<semaphore_mem>>
        tpu.wait_indirect_dma semaphore(%dma_wait3A_92 : memref<!tpu.dma_semaphore, #tpu.memory_space<semaphore_mem>>) src(%dma_wait3A_90 : memref<40960x128xf32, #tpu.memory_space<hbm>>) dst(%dma_wait3A_84 : memref<80x128xf32, #tpu.memory_space<vmem>>)
        %jit3A_93 = arith.constant 2 : i32
        %eq3A_94 = arith.constant 0 : i32
        %eq3A_95 = arith.cmpi eq, %jit3A_93, %eq3A_94 : i32
        %jit3A_96 = arith.constant 1 : i32
        %select_n3A_97 = arith.select %eq3A_95, %jit3A_96, %jit3A_93 : i32
        %rem3A_98 = arith.remsi %scan3A_56, %select_n3A_97 : i32
        %ne3A_99 = arith.constant 0 : i32
        %ne3A_100 = arith.cmpi ne, %rem3A_98, %ne3A_99 : i32
        %lt3A_101 = arith.constant 0 : i32
        %lt3A_102 = arith.cmpi slt, %rem3A_98, %lt3A_101 : i32
        %lt3A_103 = arith.constant 0 : i32
        %lt3A_104 = arith.cmpi slt, %select_n3A_97, %lt3A_103 : i32
        %ne3A_105 = arith.xori %lt3A_102, %lt3A_104 : i1
        %and3A_106 = arith.andi %ne3A_105, %ne3A_100 : i1
        %add3A_107 = arith.addi %rem3A_98, %select_n3A_97 : i32
        %select_n3A_108 = arith.select %and3A_106, %add3A_107, %rem3A_98 : i32
        "tpu.region"() ({
          %run_scoped3A = tpu.sem_alloc : memref<!tpu.dma_semaphore, #tpu.memory_space<semaphore_mem>>
          %dma_start3A_109 = arith.constant 0 : i32
          %dma_start3A_110 = arith.constant 0 : i32
          %dma_start3A_111 = tpu.memref_slice %arg9[%select_n3A_108, %dma_start3A_109, %dma_start3A_110] : memref<2x80x128xf32, #tpu.memory_space<vmem>> -> memref<1x80x128xf32, #tpu.memory_space<vmem>>
          %dma_start3A_112 = tpu.memref_squeeze %dma_start3A_111 : memref<1x80x128xf32, #tpu.memory_space<vmem>> -> memref<80x128xf32, #tpu.memory_space<vmem>>
          %dma_start3A_113 = arith.constant 0 : i32
          %dma_start3A_114 = tpu.memref_slice %arg8[%scan3A_56, %dma_start3A_113] : memref<25x80xi32, #tpu.memory_space<vmem>> -> memref<1x80xi32, #tpu.memory_space<vmem>>
          %dma_start3A_115 = tpu.memref_squeeze %dma_start3A_114 : memref<1x80xi32, #tpu.memory_space<vmem>> -> memref<80xi32, #tpu.memory_space<vmem>>
          %dma_start3A_116 = arith.constant 0 : i32
          %dma_start3A_117 = arith.constant 0 : i32
          %dma_start3A_118 = tpu.memref_slice %arg10[%dma_start3A_116, %dma_start3A_117] : memref<10240x128xf32, #tpu.memory_space<vmem_shared>> -> memref<10240x128xf32, #tpu.memory_space<vmem_shared>>
          tpu.enqueue_indirect_dma source(%dma_start3A_112 : memref<80x128xf32, #tpu.memory_space<vmem>>) target(%dma_start3A_118 : memref<10240x128xf32, #tpu.memory_space<vmem_shared>>) offsets(%dma_start3A_115 : memref<80xi32, #tpu.memory_space<vmem>>) semaphore(%run_scoped3A : memref<!tpu.dma_semaphore, #tpu.memory_space<semaphore_mem>>) {add = true}
          %dma_wait3A_119 = arith.constant 0 : i32
          %dma_wait3A_120 = arith.constant 0 : i32
          %dma_wait3A_121 = tpu.memref_slice %arg9[%select_n3A_108, %dma_wait3A_119, %dma_wait3A_120] : memref<2x80x128xf32, #tpu.memory_space<vmem>> -> memref<1x80x128xf32, #tpu.memory_space<vmem>>
          %dma_wait3A_122 = tpu.memref_squeeze %dma_wait3A_121 : memref<1x80x128xf32, #tpu.memory_space<vmem>> -> memref<80x128xf32, #tpu.memory_space<vmem>>
          %dma_wait3A_123 = arith.constant 0 : i32
          %dma_wait3A_124 = tpu.memref_slice %arg8[%scan3A_56, %dma_wait3A_123] : memref<25x80xi32, #tpu.memory_space<vmem>> -> memref<1x80xi32, #tpu.memory_space<vmem>>
          %dma_wait3A_125 = tpu.memref_squeeze %dma_wait3A_124 : memref<1x80xi32, #tpu.memory_space<vmem>> -> memref<80xi32, #tpu.memory_space<vmem>>
          %dma_wait3A_126 = arith.constant 0 : i32
          %dma_wait3A_127 = arith.constant 0 : i32
          %dma_wait3A_128 = tpu.memref_slice %arg10[%dma_wait3A_126, %dma_wait3A_127] : memref<10240x128xf32, #tpu.memory_space<vmem_shared>> -> memref<10240x128xf32, #tpu.memory_space<vmem_shared>>
          tpu.wait_indirect_dma semaphore(%run_scoped3A : memref<!tpu.dma_semaphore, #tpu.memory_space<semaphore_mem>>) src(%dma_wait3A_122 : memref<80x128xf32, #tpu.memory_space<vmem>>) dst(%dma_wait3A_128 : memref<10240x128xf32, #tpu.memory_space<vmem_shared>>)
          tpu.yield
        }) : () -> ()
      }
      %scan3A_55 = arith.constant 2 : i32
    }
    %scan3A_7 = arith.constant 5 : i32
    %barrier3A_8 = arith.constant 0 : index
    tpu.barrier barrier_id(%barrier3A_8)
    %mul3A_9 = arith.constant 640 : i32
    %mul3A_10 = arith.muli %arg1, %mul3A_9 : i32
    %mul3A_11 = arith.constant 10240 : i32
    %mul3A_12 = arith.muli %arg0, %mul3A_11 : i32
    %mul3A_13 = arith.constant 640 : i32
    %mul3A_14 = arith.muli %arg1, %mul3A_13 : i32
    %add3A_15 = arith.addi %mul3A_12, %mul3A_14 : i32
    "tpu.region"() ({
      %run_scoped3A = tpu.sem_alloc : memref<!tpu.dma_semaphore, #tpu.memory_space<semaphore_mem>>
      %dma_start3A = arith.constant 0 : i32
      %dma_start3A_16 = tpu.memref_slice %arg6[%add3A_15, %dma_start3A] : memref<20480x128xf32, #tpu.memory_space<hbm>> -> memref<640x128xf32, #tpu.memory_space<hbm>>
      %dma_start3A_17 = arith.constant 0 : i32
      %dma_start3A_18 = tpu.memref_slice %arg10[%mul3A_10, %dma_start3A_17] : memref<10240x128xf32, #tpu.memory_space<vmem_shared>> -> memref<640x128xf32, #tpu.memory_space<vmem_shared>>
      tpu.enqueue_dma source(%dma_start3A_18 : memref<640x128xf32, #tpu.memory_space<vmem_shared>>) target(%dma_start3A_16 : memref<640x128xf32, #tpu.memory_space<hbm>>) target_semaphore(%run_scoped3A : memref<!tpu.dma_semaphore, #tpu.memory_space<semaphore_mem>>)
      %dma_wait3A = arith.constant 0 : i32
      %dma_wait3A_19 = tpu.memref_slice %arg6[%add3A_15, %dma_wait3A] : memref<20480x128xf32, #tpu.memory_space<hbm>> -> memref<640x128xf32, #tpu.memory_space<hbm>>
      %dma_wait3A_20 = arith.constant 0 : i32
      %dma_wait3A_21 = tpu.memref_slice %arg10[%mul3A_10, %dma_wait3A_20] : memref<10240x128xf32, #tpu.memory_space<vmem_shared>> -> memref<640x128xf32, #tpu.memory_space<vmem_shared>>
      tpu.wait_dma2 semaphore(%run_scoped3A : memref<!tpu.dma_semaphore, #tpu.memory_space<semaphore_mem>>) src(%dma_wait3A_21 : memref<640x128xf32, #tpu.memory_space<vmem_shared>>) dst(%dma_wait3A_19 : memref<640x128xf32, #tpu.memory_space<hbm>>)
      tpu.yield
    }) : () -> ()
    return
  }
}

#map = affine_map<(d0, d1) -> (0, 0)>
#map1 = affine_map<(d0, d1) -> (0, 0, 0, 0)>
module attributes {stable_mosaic.version = 14 : i64} {
  func.func @_msg_l_sc(%arg0: i32, %arg1: i32, %arg2: memref<10000x128xf32, #tpu.memory_space<hbm>>, %arg3: memref<16x5x50x80xi32, #tpu.memory_space<hbm>>, %arg4: memref<16x5x50x80xi32, #tpu.memory_space<hbm>>, %arg5: memref<640x128xf32, #tpu.memory_space<hbm>>, %arg6: memref<40960x128xf32, #tpu.memory_space<hbm>>, %arg7: memref<50x80xi32, #tpu.memory_space<vmem>>, %arg8: memref<50x80xi32, #tpu.memory_space<vmem>>, %arg9: memref<50x80xi32, #tpu.memory_space<vmem>>, %arg10: memref<2x80x128xf32, #tpu.memory_space<vmem>>, %arg11: memref<10240x128xf32, #tpu.memory_space<vmem_shared>>, %arg12: memref<2x!tpu.dma_semaphore, #tpu.memory_space<semaphore_mem>>) attributes {dimension_semantics = [#tpu.dimension_semantics<core_parallel>, #tpu.dimension_semantics<subcore_parallel>], iteration_bounds = array<i64: 2, 16>, scalar_prefetch = 0 : i64, scratch_operands = 6 : i64, tpu.core_type = #tpu.core_type<sc_vector_subcore>, window_params = [{transform_indices = #map}, {transform_indices = #map1}, {transform_indices = #map1}, {transform_indices = #map}, {transform_indices = #map}]} {
    %iota3A = tpu.iota {dimensions = array<i32: 0>} : vector<16xi32>
    %mul3A = arith.constant 2 : i32
    %mul3A_0 = arith.muli %arg1, %mul3A : i32
    %shift_right_logical3A = arith.constant 3 : i32
    %shift_right_logical3A_1 = vector.broadcast %shift_right_logical3A : i32 to vector<16xi32>
    %shift_right_logical3A_2 = arith.shrui %iota3A, %shift_right_logical3A_1 : vector<16xi32>
    %add3A = vector.broadcast %mul3A_0 : i32 to vector<16xi32>
    %add3A_3 = arith.addi %add3A, %shift_right_logical3A_2 : vector<16xi32>
    %mul3A_4 = arith.constant 256 : i32
    %mul3A_5 = vector.broadcast %mul3A_4 : i32 to vector<16xi32>
    %mul3A_6 = arith.muli %add3A_3, %mul3A_5 : vector<16xi32>
    %add3A_7 = arith.constant 250 : i32
    %add3A_8 = vector.broadcast %add3A_7 : i32 to vector<16xi32>
    %add3A_9 = arith.addi %mul3A_6, %add3A_8 : vector<16xi32>
    %and3A = arith.constant 3 : i32
    %and3A_10 = vector.broadcast %and3A : i32 to vector<16xi32>
    %and3A_11 = arith.andi %iota3A, %and3A_10 : vector<16xi32>
    %add3A_12 = arith.addi %add3A_9, %and3A_11 : vector<16xi32>
    %mul3A_13 = arith.constant 2 : i32
    %mul3A_14 = arith.muli %arg0, %mul3A_13 : i32
    %add3A_15 = arith.constant 0 : i32
    %add3A_16 = arith.addi %mul3A_14, %add3A_15 : i32
    %mul3A_17 = arith.constant 10240 : i32
    %mul3A_18 = arith.muli %add3A_16, %mul3A_17 : i32
    %mul3A_19 = arith.constant 640 : i32
    %mul3A_20 = arith.muli %arg1, %mul3A_19 : i32
    "tpu.region"() ({
      %run_scoped3A = tpu.sem_alloc : memref<!tpu.dma_semaphore, #tpu.memory_space<semaphore_mem>>
      %dma_start3A = arith.constant 0 : i32
      %dma_start3A_55 = tpu.memref_slice %arg11[%mul3A_20, %dma_start3A] : memref<10240x128xf32, #tpu.memory_space<vmem_shared>> -> memref<640x128xf32, #tpu.memory_space<vmem_shared>>
      tpu.enqueue_dma source(%arg5 : memref<640x128xf32, #tpu.memory_space<hbm>>) target(%dma_start3A_55 : memref<640x128xf32, #tpu.memory_space<vmem_shared>>) target_semaphore(%run_scoped3A : memref<!tpu.dma_semaphore, #tpu.memory_space<semaphore_mem>>)
      %dma_wait3A = arith.constant 0 : i32
      %dma_wait3A_56 = tpu.memref_slice %arg11[%mul3A_20, %dma_wait3A] : memref<10240x128xf32, #tpu.memory_space<vmem_shared>> -> memref<640x128xf32, #tpu.memory_space<vmem_shared>>
      tpu.wait_dma2 semaphore(%run_scoped3A : memref<!tpu.dma_semaphore, #tpu.memory_space<semaphore_mem>>) src(%arg5 : memref<640x128xf32, #tpu.memory_space<hbm>>) dst(%dma_wait3A_56 : memref<640x128xf32, #tpu.memory_space<vmem_shared>>)
      tpu.yield
    }) : () -> ()
    %barrier3A = arith.constant 0 : index
    tpu.barrier barrier_id(%barrier3A)
    %scan3A = arith.constant 0 : i32
    %scan3A_21 = arith.constant 0 : i32
    %scan3A_22 = arith.constant 5 : i32
    %scan3A_23 = arith.addi %scan3A_21, %scan3A_22 : i32
    %scan3A_24 = arith.constant 1 : i32
    scf.for %scan3A_55 = %scan3A_21 to %scan3A_23 step %scan3A_24  : i32 {
      "tpu.region"() ({
        %run_scoped3A = tpu.sem_alloc : memref<!tpu.dma_semaphore, #tpu.memory_space<semaphore_mem>>
        %dma_start3A_103 = arith.constant 0 : i32
        %dma_start3A_104 = arith.constant 0 : i32
        %dma_start3A_105 = tpu.memref_slice %arg3[%arg1, %scan3A_55, %dma_start3A_103, %dma_start3A_104] : memref<16x5x50x80xi32, #tpu.memory_space<hbm>> -> memref<1x1x50x80xi32, #tpu.memory_space<hbm>>
        %dma_start3A_106 = tpu.memref_squeeze %dma_start3A_105 : memref<1x1x50x80xi32, #tpu.memory_space<hbm>> -> memref<50x80xi32, #tpu.memory_space<hbm>>
        %dma_start3A_107 = arith.constant 0 : i32
        %dma_start3A_108 = arith.constant 0 : i32
        %dma_start3A_109 = tpu.memref_slice %arg3[%arg1, %scan3A_55, %dma_start3A_107, %dma_start3A_108] : memref<16x5x50x80xi32, #tpu.memory_space<hbm>> -> memref<1x1x50x80xi32, #tpu.memory_space<hbm>>
        %dma_start3A_110 = tpu.memref_squeeze %dma_start3A_109 : memref<1x1x50x80xi32, #tpu.memory_space<hbm>> -> memref<50x80xi32, #tpu.memory_space<hbm>>
        tpu.enqueue_dma source(%dma_start3A_110 : memref<50x80xi32, #tpu.memory_space<hbm>>) target(%arg7 : memref<50x80xi32, #tpu.memory_space<vmem>>) target_semaphore(%run_scoped3A : memref<!tpu.dma_semaphore, #tpu.memory_space<semaphore_mem>>)
        %dma_wait3A = arith.constant 0 : i32
        %dma_wait3A_111 = arith.constant 0 : i32
        %dma_wait3A_112 = tpu.memref_slice %arg3[%arg1, %scan3A_55, %dma_wait3A, %dma_wait3A_111] : memref<16x5x50x80xi32, #tpu.memory_space<hbm>> -> memref<1x1x50x80xi32, #tpu.memory_space<hbm>>
        %dma_wait3A_113 = tpu.memref_squeeze %dma_wait3A_112 : memref<1x1x50x80xi32, #tpu.memory_space<hbm>> -> memref<50x80xi32, #tpu.memory_space<hbm>>
        %dma_wait3A_114 = arith.constant 0 : i32
        %dma_wait3A_115 = arith.constant 0 : i32
        %dma_wait3A_116 = tpu.memref_slice %arg3[%arg1, %scan3A_55, %dma_wait3A_114, %dma_wait3A_115] : memref<16x5x50x80xi32, #tpu.memory_space<hbm>> -> memref<1x1x50x80xi32, #tpu.memory_space<hbm>>
        %dma_wait3A_117 = tpu.memref_squeeze %dma_wait3A_116 : memref<1x1x50x80xi32, #tpu.memory_space<hbm>> -> memref<50x80xi32, #tpu.memory_space<hbm>>
        tpu.wait_dma2 semaphore(%run_scoped3A : memref<!tpu.dma_semaphore, #tpu.memory_space<semaphore_mem>>) src(%dma_wait3A_117 : memref<50x80xi32, #tpu.memory_space<hbm>>) dst(%arg7 : memref<50x80xi32, #tpu.memory_space<vmem>>)
        tpu.yield
      }) : () -> ()
      "tpu.region"() ({
        %run_scoped3A = tpu.sem_alloc : memref<!tpu.dma_semaphore, #tpu.memory_space<semaphore_mem>>
        %dma_start3A_103 = arith.constant 0 : i32
        %dma_start3A_104 = arith.constant 0 : i32
        %dma_start3A_105 = tpu.memref_slice %arg4[%arg1, %scan3A_55, %dma_start3A_103, %dma_start3A_104] : memref<16x5x50x80xi32, #tpu.memory_space<hbm>> -> memref<1x1x50x80xi32, #tpu.memory_space<hbm>>
        %dma_start3A_106 = tpu.memref_squeeze %dma_start3A_105 : memref<1x1x50x80xi32, #tpu.memory_space<hbm>> -> memref<50x80xi32, #tpu.memory_space<hbm>>
        %dma_start3A_107 = arith.constant 0 : i32
        %dma_start3A_108 = arith.constant 0 : i32
        %dma_start3A_109 = tpu.memref_slice %arg4[%arg1, %scan3A_55, %dma_start3A_107, %dma_start3A_108] : memref<16x5x50x80xi32, #tpu.memory_space<hbm>> -> memref<1x1x50x80xi32, #tpu.memory_space<hbm>>
        %dma_start3A_110 = tpu.memref_squeeze %dma_start3A_109 : memref<1x1x50x80xi32, #tpu.memory_space<hbm>> -> memref<50x80xi32, #tpu.memory_space<hbm>>
        tpu.enqueue_dma source(%dma_start3A_110 : memref<50x80xi32, #tpu.memory_space<hbm>>) target(%arg8 : memref<50x80xi32, #tpu.memory_space<vmem>>) target_semaphore(%run_scoped3A : memref<!tpu.dma_semaphore, #tpu.memory_space<semaphore_mem>>)
        %dma_wait3A = arith.constant 0 : i32
        %dma_wait3A_111 = arith.constant 0 : i32
        %dma_wait3A_112 = tpu.memref_slice %arg4[%arg1, %scan3A_55, %dma_wait3A, %dma_wait3A_111] : memref<16x5x50x80xi32, #tpu.memory_space<hbm>> -> memref<1x1x50x80xi32, #tpu.memory_space<hbm>>
        %dma_wait3A_113 = tpu.memref_squeeze %dma_wait3A_112 : memref<1x1x50x80xi32, #tpu.memory_space<hbm>> -> memref<50x80xi32, #tpu.memory_space<hbm>>
        %dma_wait3A_114 = arith.constant 0 : i32
        %dma_wait3A_115 = arith.constant 0 : i32
        %dma_wait3A_116 = tpu.memref_slice %arg4[%arg1, %scan3A_55, %dma_wait3A_114, %dma_wait3A_115] : memref<16x5x50x80xi32, #tpu.memory_space<hbm>> -> memref<1x1x50x80xi32, #tpu.memory_space<hbm>>
        %dma_wait3A_117 = tpu.memref_squeeze %dma_wait3A_116 : memref<1x1x50x80xi32, #tpu.memory_space<hbm>> -> memref<50x80xi32, #tpu.memory_space<hbm>>
        tpu.wait_dma2 semaphore(%run_scoped3A : memref<!tpu.dma_semaphore, #tpu.memory_space<semaphore_mem>>) src(%dma_wait3A_117 : memref<50x80xi32, #tpu.memory_space<hbm>>) dst(%arg8 : memref<50x80xi32, #tpu.memory_space<vmem>>)
        tpu.yield
      }) : () -> ()
      %dma_start3A = arith.constant 0 : i32
      %dma_start3A_56 = arith.constant 0 : i32
      %dma_start3A_57 = arith.constant 0 : i32
      %dma_start3A_58 = arith.constant 0 : i32
      %dma_start3A_59 = arith.constant 0 : i32
      %dma_start3A_60 = tpu.memref_slice %arg10[%dma_start3A_56, %dma_start3A_58, %dma_start3A_59] : memref<2x80x128xf32, #tpu.memory_space<vmem>> -> memref<1x80x128xf32, #tpu.memory_space<vmem>>
      %dma_start3A_61 = tpu.memref_squeeze %dma_start3A_60 : memref<1x80x128xf32, #tpu.memory_space<vmem>> -> memref<80x128xf32, #tpu.memory_space<vmem>>
      %dma_start3A_62 = arith.constant 0 : i32
      %dma_start3A_63 = tpu.memref_slice %arg8[%dma_start3A, %dma_start3A_62] : memref<50x80xi32, #tpu.memory_space<vmem>> -> memref<1x80xi32, #tpu.memory_space<vmem>>
      %dma_start3A_64 = tpu.memref_squeeze %dma_start3A_63 : memref<1x80xi32, #tpu.memory_space<vmem>> -> memref<80xi32, #tpu.memory_space<vmem>>
      %dma_start3A_65 = arith.constant 0 : i32
      %dma_start3A_66 = arith.constant 0 : i32
      %dma_start3A_67 = tpu.memref_slice %arg2[%dma_start3A_65, %dma_start3A_66] : memref<10000x128xf32, #tpu.memory_space<hbm>> -> memref<10000x128xf32, #tpu.memory_space<hbm>>
      %dma_start3A_68 = tpu.memref_slice %arg12[%dma_start3A_57] : memref<2x!tpu.dma_semaphore, #tpu.memory_space<semaphore_mem>> -> memref<1x!tpu.dma_semaphore, #tpu.memory_space<semaphore_mem>>
      %dma_start3A_69 = tpu.memref_squeeze %dma_start3A_68 : memref<1x!tpu.dma_semaphore, #tpu.memory_space<semaphore_mem>> -> memref<!tpu.dma_semaphore, #tpu.memory_space<semaphore_mem>>
      tpu.enqueue_indirect_dma source(%dma_start3A_67 : memref<10000x128xf32, #tpu.memory_space<hbm>>) target(%dma_start3A_61 : memref<80x128xf32, #tpu.memory_space<vmem>>) offsets(%dma_start3A_64 : memref<80xi32, #tpu.memory_space<vmem>>) semaphore(%dma_start3A_69 : memref<!tpu.dma_semaphore, #tpu.memory_space<semaphore_mem>>)
      %dma_start3A_70 = arith.constant 1 : i32
      %dma_start3A_71 = arith.constant 1 : i32
      %dma_start3A_72 = arith.constant 1 : i32
      %dma_start3A_73 = arith.constant 0 : i32
      %dma_start3A_74 = arith.constant 0 : i32
      %dma_start3A_75 = tpu.memref_slice %arg10[%dma_start3A_71, %dma_start3A_73, %dma_start3A_74] : memref<2x80x128xf32, #tpu.memory_space<vmem>> -> memref<1x80x128xf32, #tpu.memory_space<vmem>>
      %dma_start3A_76 = tpu.memref_squeeze %dma_start3A_75 : memref<1x80x128xf32, #tpu.memory_space<vmem>> -> memref<80x128xf32, #tpu.memory_space<vmem>>
      %dma_start3A_77 = arith.constant 0 : i32
      %dma_start3A_78 = tpu.memref_slice %arg8[%dma_start3A_70, %dma_start3A_77] : memref<50x80xi32, #tpu.memory_space<vmem>> -> memref<1x80xi32, #tpu.memory_space<vmem>>
      %dma_start3A_79 = tpu.memref_squeeze %dma_start3A_78 : memref<1x80xi32, #tpu.memory_space<vmem>> -> memref<80xi32, #tpu.memory_space<vmem>>
      %dma_start3A_80 = arith.constant 0 : i32
      %dma_start3A_81 = arith.constant 0 : i32
      %dma_start3A_82 = tpu.memref_slice %arg2[%dma_start3A_80, %dma_start3A_81] : memref<10000x128xf32, #tpu.memory_space<hbm>> -> memref<10000x128xf32, #tpu.memory_space<hbm>>
      %dma_start3A_83 = tpu.memref_slice %arg12[%dma_start3A_72] : memref<2x!tpu.dma_semaphore, #tpu.memory_space<semaphore_mem>> -> memref<1x!tpu.dma_semaphore, #tpu.memory_space<semaphore_mem>>
      %dma_start3A_84 = tpu.memref_squeeze %dma_start3A_83 : memref<1x!tpu.dma_semaphore, #tpu.memory_space<semaphore_mem>> -> memref<!tpu.dma_semaphore, #tpu.memory_space<semaphore_mem>>
      tpu.enqueue_indirect_dma source(%dma_start3A_82 : memref<10000x128xf32, #tpu.memory_space<hbm>>) target(%dma_start3A_76 : memref<80x128xf32, #tpu.memory_space<vmem>>) offsets(%dma_start3A_79 : memref<80xi32, #tpu.memory_space<vmem>>) semaphore(%dma_start3A_84 : memref<!tpu.dma_semaphore, #tpu.memory_space<semaphore_mem>>)
      %scan3A_85 = arith.constant 0 : i32
      %scan3A_86 = arith.constant 0 : i32
      %scan3A_87 = arith.constant 250 : i32
      %scan3A_88 = arith.addi %scan3A_86, %scan3A_87 : i32
      %scan3A_89 = arith.constant 1 : i32
      scf.for %scan3A_103 = %scan3A_86 to %scan3A_88 step %scan3A_89  : i32 {
        %jit3A = arith.constant 5 : i32
        %div3A = arith.divsi %scan3A_103, %jit3A : i32
        %sign3A = arith.constant 0 : i32
        %sign3A_104 = arith.cmpi sgt, %scan3A_103, %sign3A : i32
        %sign3A_105 = arith.extui %sign3A_104 : i1 to i32
        %sign3A_106 = arith.constant 0 : i32
        %sign3A_107 = arith.cmpi slt, %scan3A_103, %sign3A_106 : i32
        %sign3A_108 = arith.extui %sign3A_107 : i1 to i32
        %sign3A_109 = arith.subi %sign3A_105, %sign3A_108 : i32
        %sign3A_110 = arith.constant 0 : i32
        %sign3A_111 = arith.cmpi sgt, %jit3A, %sign3A_110 : i32
        %sign3A_112 = arith.extui %sign3A_111 : i1 to i32
        %sign3A_113 = arith.constant 0 : i32
        %sign3A_114 = arith.cmpi slt, %jit3A, %sign3A_113 : i32
        %sign3A_115 = arith.extui %sign3A_114 : i1 to i32
        %sign3A_116 = arith.subi %sign3A_112, %sign3A_115 : i32
        %ne3A = arith.cmpi ne, %sign3A_109, %sign3A_116 : i32
        %rem3A = arith.remsi %scan3A_103, %jit3A : i32
        %ne3A_117 = arith.constant 0 : i32
        %ne3A_118 = arith.cmpi ne, %rem3A, %ne3A_117 : i32
        %and3A_119 = arith.andi %ne3A, %ne3A_118 : i1
        %sub3A = arith.constant 1 : i32
        %sub3A_120 = arith.subi %div3A, %sub3A : i32
        %select_n3A = arith.select %and3A_119, %sub3A_120, %div3A : i32
        %jit3A_121 = arith.constant 5 : i32
        %eq3A = arith.constant 0 : i32
        %eq3A_122 = arith.cmpi eq, %jit3A_121, %eq3A : i32
        %jit3A_123 = arith.constant 1 : i32
        %select_n3A_124 = arith.select %eq3A_122, %jit3A_123, %jit3A_121 : i32
        %rem3A_125 = arith.remsi %scan3A_103, %select_n3A_124 : i32
        %ne3A_126 = arith.constant 0 : i32
        %ne3A_127 = arith.cmpi ne, %rem3A_125, %ne3A_126 : i32
        %lt3A = arith.constant 0 : i32
        %lt3A_128 = arith.cmpi slt, %rem3A_125, %lt3A : i32
        %lt3A_129 = arith.constant 0 : i32
        %lt3A_130 = arith.cmpi slt, %select_n3A_124, %lt3A_129 : i32
        %ne3A_131 = arith.xori %lt3A_128, %lt3A_130 : i1
        %and3A_132 = arith.andi %ne3A_131, %ne3A_127 : i1
        %add3A_133 = arith.addi %rem3A_125, %select_n3A_124 : i32
        %select_n3A_134 = arith.select %and3A_132, %add3A_133, %rem3A_125 : i32
        %mul3A_135 = arith.constant 16 : i32
        %mul3A_136 = arith.muli %select_n3A_134, %mul3A_135 : i32
        %get3A = arith.index_cast %select_n3A : i32 to index
        %get3A_137 = arith.index_cast %mul3A_136 : i32 to index
        %get3A_138 = tpu.vector_load %arg7[%get3A, %get3A_137] {strides = array<i32>} : memref<50x80xi32, #tpu.memory_space<vmem>>, vector<1x16xi32>,
        %get3A_139 = vector.shape_cast %get3A_138 : vector<1x16xi32> to vector<16xi32>
        %sub3A_140 = vector.broadcast %mul3A_18 : i32 to vector<16xi32>
        %sub3A_141 = arith.subi %get3A_139, %sub3A_140 : vector<16xi32>
        %ge3A = arith.constant 0 : i32
        %ge3A_142 = vector.broadcast %ge3A : i32 to vector<16xi32>
        %ge3A_143 = arith.cmpi sge, %sub3A_141, %ge3A_142 : vector<16xi32>
        %lt3A_144 = arith.constant 10240 : i32
        %lt3A_145 = vector.broadcast %lt3A_144 : i32 to vector<16xi32>
        %lt3A_146 = arith.cmpi slt, %sub3A_141, %lt3A_145 : vector<16xi32>
        %and3A_147 = arith.andi %ge3A_143, %lt3A_146 : vector<16xi1>
        %select_n3A_148 = arith.select %and3A_147, %sub3A_141, %add3A_12 : vector<16xi1>, vector<16xi32>
        %swap3A = arith.index_cast %select_n3A : i32 to index
        %swap3A_149 = arith.index_cast %mul3A_136 : i32 to index
        %swap3A_150 = tpu.vector_load %arg9[%swap3A, %swap3A_149] {strides = array<i32>} : memref<50x80xi32, #tpu.memory_space<vmem>>, vector<1x16xi32>,
        %swap3A_151 = vector.shape_cast %swap3A_150 : vector<1x16xi32> to vector<16xi32>
        %swap3A_152 = vector.shape_cast %select_n3A_148 : vector<16xi32> to vector<1x16xi32>
        tpu.vector_store %arg9[%swap3A, %swap3A_149], %swap3A_152 {strides = array<i32>} : memref<50x80xi32, #tpu.memory_space<vmem>>, vector<1x16xi32>,
      }
      %scan3A_90 = arith.constant 250 : i32
      %scan3A_91 = arith.constant 0 : i32
      %scan3A_92 = arith.constant 0 : i32
      %scan3A_93 = arith.constant 48 : i32
      %scan3A_94 = arith.addi %scan3A_92, %scan3A_93 : i32
      %scan3A_95 = arith.constant 1 : i32
      scf.for %scan3A_103 = %scan3A_92 to %scan3A_94 step %scan3A_95  : i32 {
        %jit3A = arith.constant 2 : i32
        %eq3A = arith.constant 0 : i32
        %eq3A_104 = arith.cmpi eq, %jit3A, %eq3A : i32
        %jit3A_105 = arith.constant 1 : i32
        %select_n3A = arith.select %eq3A_104, %jit3A_105, %jit3A : i32
        %rem3A = arith.remsi %scan3A_103, %select_n3A : i32
        %ne3A = arith.constant 0 : i32
        %ne3A_106 = arith.cmpi ne, %rem3A, %ne3A : i32
        %lt3A = arith.constant 0 : i32
        %lt3A_107 = arith.cmpi slt, %rem3A, %lt3A : i32
        %lt3A_108 = arith.constant 0 : i32
        %lt3A_109 = arith.cmpi slt, %select_n3A, %lt3A_108 : i32
        %ne3A_110 = arith.xori %lt3A_107, %lt3A_109 : i1
        %and3A_111 = arith.andi %ne3A_110, %ne3A_106 : i1
        %add3A_112 = arith.addi %rem3A, %select_n3A : i32
        %select_n3A_113 = arith.select %and3A_111, %add3A_112, %rem3A : i32
        %jit3A_114 = arith.constant 2 : i32
        %eq3A_115 = arith.constant 0 : i32
        %eq3A_116 = arith.cmpi eq, %jit3A_114, %eq3A_115 : i32
        %jit3A_117 = arith.constant 1 : i32
        %select_n3A_118 = arith.select %eq3A_116, %jit3A_117, %jit3A_114 : i32
        %rem3A_119 = arith.remsi %scan3A_103, %select_n3A_118 : i32
        %ne3A_120 = arith.constant 0 : i32
        %ne3A_121 = arith.cmpi ne, %rem3A_119, %ne3A_120 : i32
        %lt3A_122 = arith.constant 0 : i32
        %lt3A_123 = arith.cmpi slt, %rem3A_119, %lt3A_122 : i32
        %lt3A_124 = arith.constant 0 : i32
        %lt3A_125 = arith.cmpi slt, %select_n3A_118, %lt3A_124 : i32
        %ne3A_126 = arith.xori %lt3A_123, %lt3A_125 : i1
        %and3A_127 = arith.andi %ne3A_126, %ne3A_121 : i1
        %add3A_128 = arith.addi %rem3A_119, %select_n3A_118 : i32
        %select_n3A_129 = arith.select %and3A_127, %add3A_128, %rem3A_119 : i32
        %dma_wait3A = arith.constant 0 : i32
        %dma_wait3A_130 = arith.constant 0 : i32
        %dma_wait3A_131 = tpu.memref_slice %arg10[%select_n3A_113, %dma_wait3A, %dma_wait3A_130] : memref<2x80x128xf32, #tpu.memory_space<vmem>> -> memref<1x80x128xf32, #tpu.memory_space<vmem>>
        %dma_wait3A_132 = tpu.memref_squeeze %dma_wait3A_131 : memref<1x80x128xf32, #tpu.memory_space<vmem>> -> memref<80x128xf32, #tpu.memory_space<vmem>>
        %dma_wait3A_133 = arith.constant 0 : i32
        %dma_wait3A_134 = tpu.memref_slice %arg8[%scan3A_103, %dma_wait3A_133] : memref<50x80xi32, #tpu.memory_space<vmem>> -> memref<1x80xi32, #tpu.memory_space<vmem>>
        %dma_wait3A_135 = tpu.memref_squeeze %dma_wait3A_134 : memref<1x80xi32, #tpu.memory_space<vmem>> -> memref<80xi32, #tpu.memory_space<vmem>>
        %dma_wait3A_136 = arith.constant 0 : i32
        %dma_wait3A_137 = arith.constant 0 : i32
        %dma_wait3A_138 = tpu.memref_slice %arg2[%dma_wait3A_136, %dma_wait3A_137] : memref<10000x128xf32, #tpu.memory_space<hbm>> -> memref<10000x128xf32, #tpu.memory_space<hbm>>
        %dma_wait3A_139 = tpu.memref_slice %arg12[%select_n3A_129] : memref<2x!tpu.dma_semaphore, #tpu.memory_space<semaphore_mem>> -> memref<1x!tpu.dma_semaphore, #tpu.memory_space<semaphore_mem>>
        %dma_wait3A_140 = tpu.memref_squeeze %dma_wait3A_139 : memref<1x!tpu.dma_semaphore, #tpu.memory_space<semaphore_mem>> -> memref<!tpu.dma_semaphore, #tpu.memory_space<semaphore_mem>>
        tpu.wait_indirect_dma semaphore(%dma_wait3A_140 : memref<!tpu.dma_semaphore, #tpu.memory_space<semaphore_mem>>) src(%dma_wait3A_138 : memref<10000x128xf32, #tpu.memory_space<hbm>>) dst(%dma_wait3A_132 : memref<80x128xf32, #tpu.memory_space<vmem>>)
        %jit3A_141 = arith.constant 2 : i32
        %eq3A_142 = arith.constant 0 : i32
        %eq3A_143 = arith.cmpi eq, %jit3A_141, %eq3A_142 : i32
        %jit3A_144 = arith.constant 1 : i32
        %select_n3A_145 = arith.select %eq3A_143, %jit3A_144, %jit3A_141 : i32
        %rem3A_146 = arith.remsi %scan3A_103, %select_n3A_145 : i32
        %ne3A_147 = arith.constant 0 : i32
        %ne3A_148 = arith.cmpi ne, %rem3A_146, %ne3A_147 : i32
        %lt3A_149 = arith.constant 0 : i32
        %lt3A_150 = arith.cmpi slt, %rem3A_146, %lt3A_149 : i32
        %lt3A_151 = arith.constant 0 : i32
        %lt3A_152 = arith.cmpi slt, %select_n3A_145, %lt3A_151 : i32
        %ne3A_153 = arith.xori %lt3A_150, %lt3A_152 : i1
        %and3A_154 = arith.andi %ne3A_153, %ne3A_148 : i1
        %add3A_155 = arith.addi %rem3A_146, %select_n3A_145 : i32
        %select_n3A_156 = arith.select %and3A_154, %add3A_155, %rem3A_146 : i32
        "tpu.region"() ({
          %run_scoped3A = tpu.sem_alloc : memref<!tpu.dma_semaphore, #tpu.memory_space<semaphore_mem>>
          %dma_start3A_203 = arith.constant 0 : i32
          %dma_start3A_204 = arith.constant 0 : i32
          %dma_start3A_205 = tpu.memref_slice %arg10[%select_n3A_156, %dma_start3A_203, %dma_start3A_204] : memref<2x80x128xf32, #tpu.memory_space<vmem>> -> memref<1x80x128xf32, #tpu.memory_space<vmem>>
          %dma_start3A_206 = tpu.memref_squeeze %dma_start3A_205 : memref<1x80x128xf32, #tpu.memory_space<vmem>> -> memref<80x128xf32, #tpu.memory_space<vmem>>
          %dma_start3A_207 = arith.constant 0 : i32
          %dma_start3A_208 = tpu.memref_slice %arg9[%scan3A_103, %dma_start3A_207] : memref<50x80xi32, #tpu.memory_space<vmem>> -> memref<1x80xi32, #tpu.memory_space<vmem>>
          %dma_start3A_209 = tpu.memref_squeeze %dma_start3A_208 : memref<1x80xi32, #tpu.memory_space<vmem>> -> memref<80xi32, #tpu.memory_space<vmem>>
          %dma_start3A_210 = arith.constant 0 : i32
          %dma_start3A_211 = arith.constant 0 : i32
          %dma_start3A_212 = tpu.memref_slice %arg11[%dma_start3A_210, %dma_start3A_211] : memref<10240x128xf32, #tpu.memory_space<vmem_shared>> -> memref<10240x128xf32, #tpu.memory_space<vmem_shared>>
          tpu.enqueue_indirect_dma source(%dma_start3A_206 : memref<80x128xf32, #tpu.memory_space<vmem>>) target(%dma_start3A_212 : memref<10240x128xf32, #tpu.memory_space<vmem_shared>>) offsets(%dma_start3A_209 : memref<80xi32, #tpu.memory_space<vmem>>) semaphore(%run_scoped3A : memref<!tpu.dma_semaphore, #tpu.memory_space<semaphore_mem>>) {add = true}
          %dma_wait3A_213 = arith.constant 0 : i32
          %dma_wait3A_214 = arith.constant 0 : i32
          %dma_wait3A_215 = tpu.memref_slice %arg10[%select_n3A_156, %dma_wait3A_213, %dma_wait3A_214] : memref<2x80x128xf32, #tpu.memory_space<vmem>> -> memref<1x80x128xf32, #tpu.memory_space<vmem>>
          %dma_wait3A_216 = tpu.memref_squeeze %dma_wait3A_215 : memref<1x80x128xf32, #tpu.memory_space<vmem>> -> memref<80x128xf32, #tpu.memory_space<vmem>>
          %dma_wait3A_217 = arith.constant 0 : i32
          %dma_wait3A_218 = tpu.memref_slice %arg9[%scan3A_103, %dma_wait3A_217] : memref<50x80xi32, #tpu.memory_space<vmem>> -> memref<1x80xi32, #tpu.memory_space<vmem>>
          %dma_wait3A_219 = tpu.memref_squeeze %dma_wait3A_218 : memref<1x80xi32, #tpu.memory_space<vmem>> -> memref<80xi32, #tpu.memory_space<vmem>>
          %dma_wait3A_220 = arith.constant 0 : i32
          %dma_wait3A_221 = arith.constant 0 : i32
          %dma_wait3A_222 = tpu.memref_slice %arg11[%dma_wait3A_220, %dma_wait3A_221] : memref<10240x128xf32, #tpu.memory_space<vmem_shared>> -> memref<10240x128xf32, #tpu.memory_space<vmem_shared>>
          tpu.wait_indirect_dma semaphore(%run_scoped3A : memref<!tpu.dma_semaphore, #tpu.memory_space<semaphore_mem>>) src(%dma_wait3A_216 : memref<80x128xf32, #tpu.memory_space<vmem>>) dst(%dma_wait3A_222 : memref<10240x128xf32, #tpu.memory_space<vmem_shared>>)
          tpu.yield
        }) : () -> ()
        %add3A_157 = arith.constant 2 : i32
        %add3A_158 = arith.addi %scan3A_103, %add3A_157 : i32
        %jit3A_159 = arith.constant 2 : i32
        %eq3A_160 = arith.constant 0 : i32
        %eq3A_161 = arith.cmpi eq, %jit3A_159, %eq3A_160 : i32
        %jit3A_162 = arith.constant 1 : i32
        %select_n3A_163 = arith.select %eq3A_161, %jit3A_162, %jit3A_159 : i32
        %rem3A_164 = arith.remsi %add3A_158, %select_n3A_163 : i32
        %ne3A_165 = arith.constant 0 : i32
        %ne3A_166 = arith.cmpi ne, %rem3A_164, %ne3A_165 : i32
        %lt3A_167 = arith.constant 0 : i32
        %lt3A_168 = arith.cmpi slt, %rem3A_164, %lt3A_167 : i32
        %lt3A_169 = arith.constant 0 : i32
        %lt3A_170 = arith.cmpi slt, %select_n3A_163, %lt3A_169 : i32
        %ne3A_171 = arith.xori %lt3A_168, %lt3A_170 : i1
        %and3A_172 = arith.andi %ne3A_171, %ne3A_166 : i1
        %add3A_173 = arith.addi %rem3A_164, %select_n3A_163 : i32
        %select_n3A_174 = arith.select %and3A_172, %add3A_173, %rem3A_164 : i32
        %jit3A_175 = arith.constant 2 : i32
        %eq3A_176 = arith.constant 0 : i32
        %eq3A_177 = arith.cmpi eq, %jit3A_175, %eq3A_176 : i32
        %jit3A_178 = arith.constant 1 : i32
        %select_n3A_179 = arith.select %eq3A_177, %jit3A_178, %jit3A_175 : i32
        %rem3A_180 = arith.remsi %add3A_158, %select_n3A_179 : i32
        %ne3A_181 = arith.constant 0 : i32
        %ne3A_182 = arith.cmpi ne, %rem3A_180, %ne3A_181 : i32
        %lt3A_183 = arith.constant 0 : i32
        %lt3A_184 = arith.cmpi slt, %rem3A_180, %lt3A_183 : i32
        %lt3A_185 = arith.constant 0 : i32
        %lt3A_186 = arith.cmpi slt, %select_n3A_179, %lt3A_185 : i32
        %ne3A_187 = arith.xori %lt3A_184, %lt3A_186 : i1
        %and3A_188 = arith.andi %ne3A_187, %ne3A_182 : i1
        %add3A_189 = arith.addi %rem3A_180, %select_n3A_179 : i32
        %select_n3A_190 = arith.select %and3A_188, %add3A_189, %rem3A_180 : i32
        %dma_start3A_191 = arith.constant 0 : i32
        %dma_start3A_192 = arith.constant 0 : i32
        %dma_start3A_193 = tpu.memref_slice %arg10[%select_n3A_174, %dma_start3A_191, %dma_start3A_192] : memref<2x80x128xf32, #tpu.memory_space<vmem>> -> memref<1x80x128xf32, #tpu.memory_space<vmem>>
        %dma_start3A_194 = tpu.memref_squeeze %dma_start3A_193 : memref<1x80x128xf32, #tpu.memory_space<vmem>> -> memref<80x128xf32, #tpu.memory_space<vmem>>
        %dma_start3A_195 = arith.constant 0 : i32
        %dma_start3A_196 = tpu.memref_slice %arg8[%add3A_158, %dma_start3A_195] : memref<50x80xi32, #tpu.memory_space<vmem>> -> memref<1x80xi32, #tpu.memory_space<vmem>>
        %dma_start3A_197 = tpu.memref_squeeze %dma_start3A_196 : memref<1x80xi32, #tpu.memory_space<vmem>> -> memref<80xi32, #tpu.memory_space<vmem>>
        %dma_start3A_198 = arith.constant 0 : i32
        %dma_start3A_199 = arith.constant 0 : i32
        %dma_start3A_200 = tpu.memref_slice %arg2[%dma_start3A_198, %dma_start3A_199] : memref<10000x128xf32, #tpu.memory_space<hbm>> -> memref<10000x128xf32, #tpu.memory_space<hbm>>
        %dma_start3A_201 = tpu.memref_slice %arg12[%select_n3A_190] : memref<2x!tpu.dma_semaphore, #tpu.memory_space<semaphore_mem>> -> memref<1x!tpu.dma_semaphore, #tpu.memory_space<semaphore_mem>>
        %dma_start3A_202 = tpu.memref_squeeze %dma_start3A_201 : memref<1x!tpu.dma_semaphore, #tpu.memory_space<semaphore_mem>> -> memref<!tpu.dma_semaphore, #tpu.memory_space<semaphore_mem>>
        tpu.enqueue_indirect_dma source(%dma_start3A_200 : memref<10000x128xf32, #tpu.memory_space<hbm>>) target(%dma_start3A_194 : memref<80x128xf32, #tpu.memory_space<vmem>>) offsets(%dma_start3A_197 : memref<80xi32, #tpu.memory_space<vmem>>) semaphore(%dma_start3A_202 : memref<!tpu.dma_semaphore, #tpu.memory_space<semaphore_mem>>)
      }
      %scan3A_96 = arith.constant 48 : i32
      %scan3A_97 = arith.constant 0 : i32
      %scan3A_98 = arith.constant 48 : i32
      %scan3A_99 = arith.constant 2 : i32
      %scan3A_100 = arith.addi %scan3A_98, %scan3A_99 : i32
      %scan3A_101 = arith.constant 1 : i32
      scf.for %scan3A_103 = %scan3A_98 to %scan3A_100 step %scan3A_101  : i32 {
        %jit3A = arith.constant 2 : i32
        %eq3A = arith.constant 0 : i32
        %eq3A_104 = arith.cmpi eq, %jit3A, %eq3A : i32
        %jit3A_105 = arith.constant 1 : i32
        %select_n3A = arith.select %eq3A_104, %jit3A_105, %jit3A : i32
        %rem3A = arith.remsi %scan3A_103, %select_n3A : i32
        %ne3A = arith.constant 0 : i32
        %ne3A_106 = arith.cmpi ne, %rem3A, %ne3A : i32
        %lt3A = arith.constant 0 : i32
        %lt3A_107 = arith.cmpi slt, %rem3A, %lt3A : i32
        %lt3A_108 = arith.constant 0 : i32
        %lt3A_109 = arith.cmpi slt, %select_n3A, %lt3A_108 : i32
        %ne3A_110 = arith.xori %lt3A_107, %lt3A_109 : i1
        %and3A_111 = arith.andi %ne3A_110, %ne3A_106 : i1
        %add3A_112 = arith.addi %rem3A, %select_n3A : i32
        %select_n3A_113 = arith.select %and3A_111, %add3A_112, %rem3A : i32
        %jit3A_114 = arith.constant 2 : i32
        %eq3A_115 = arith.constant 0 : i32
        %eq3A_116 = arith.cmpi eq, %jit3A_114, %eq3A_115 : i32
        %jit3A_117 = arith.constant 1 : i32
        %select_n3A_118 = arith.select %eq3A_116, %jit3A_117, %jit3A_114 : i32
        %rem3A_119 = arith.remsi %scan3A_103, %select_n3A_118 : i32
        %ne3A_120 = arith.constant 0 : i32
        %ne3A_121 = arith.cmpi ne, %rem3A_119, %ne3A_120 : i32
        %lt3A_122 = arith.constant 0 : i32
        %lt3A_123 = arith.cmpi slt, %rem3A_119, %lt3A_122 : i32
        %lt3A_124 = arith.constant 0 : i32
        %lt3A_125 = arith.cmpi slt, %select_n3A_118, %lt3A_124 : i32
        %ne3A_126 = arith.xori %lt3A_123, %lt3A_125 : i1
        %and3A_127 = arith.andi %ne3A_126, %ne3A_121 : i1
        %add3A_128 = arith.addi %rem3A_119, %select_n3A_118 : i32
        %select_n3A_129 = arith.select %and3A_127, %add3A_128, %rem3A_119 : i32
        %dma_wait3A = arith.constant 0 : i32
        %dma_wait3A_130 = arith.constant 0 : i32
        %dma_wait3A_131 = tpu.memref_slice %arg10[%select_n3A_113, %dma_wait3A, %dma_wait3A_130] : memref<2x80x128xf32, #tpu.memory_space<vmem>> -> memref<1x80x128xf32, #tpu.memory_space<vmem>>
        %dma_wait3A_132 = tpu.memref_squeeze %dma_wait3A_131 : memref<1x80x128xf32, #tpu.memory_space<vmem>> -> memref<80x128xf32, #tpu.memory_space<vmem>>
        %dma_wait3A_133 = arith.constant 0 : i32
        %dma_wait3A_134 = tpu.memref_slice %arg8[%scan3A_103, %dma_wait3A_133] : memref<50x80xi32, #tpu.memory_space<vmem>> -> memref<1x80xi32, #tpu.memory_space<vmem>>
        %dma_wait3A_135 = tpu.memref_squeeze %dma_wait3A_134 : memref<1x80xi32, #tpu.memory_space<vmem>> -> memref<80xi32, #tpu.memory_space<vmem>>
        %dma_wait3A_136 = arith.constant 0 : i32
        %dma_wait3A_137 = arith.constant 0 : i32
        %dma_wait3A_138 = tpu.memref_slice %arg2[%dma_wait3A_136, %dma_wait3A_137] : memref<10000x128xf32, #tpu.memory_space<hbm>> -> memref<10000x128xf32, #tpu.memory_space<hbm>>
        %dma_wait3A_139 = tpu.memref_slice %arg12[%select_n3A_129] : memref<2x!tpu.dma_semaphore, #tpu.memory_space<semaphore_mem>> -> memref<1x!tpu.dma_semaphore, #tpu.memory_space<semaphore_mem>>
        %dma_wait3A_140 = tpu.memref_squeeze %dma_wait3A_139 : memref<1x!tpu.dma_semaphore, #tpu.memory_space<semaphore_mem>> -> memref<!tpu.dma_semaphore, #tpu.memory_space<semaphore_mem>>
        tpu.wait_indirect_dma semaphore(%dma_wait3A_140 : memref<!tpu.dma_semaphore, #tpu.memory_space<semaphore_mem>>) src(%dma_wait3A_138 : memref<10000x128xf32, #tpu.memory_space<hbm>>) dst(%dma_wait3A_132 : memref<80x128xf32, #tpu.memory_space<vmem>>)
        %jit3A_141 = arith.constant 2 : i32
        %eq3A_142 = arith.constant 0 : i32
        %eq3A_143 = arith.cmpi eq, %jit3A_141, %eq3A_142 : i32
        %jit3A_144 = arith.constant 1 : i32
        %select_n3A_145 = arith.select %eq3A_143, %jit3A_144, %jit3A_141 : i32
        %rem3A_146 = arith.remsi %scan3A_103, %select_n3A_145 : i32
        %ne3A_147 = arith.constant 0 : i32
        %ne3A_148 = arith.cmpi ne, %rem3A_146, %ne3A_147 : i32
        %lt3A_149 = arith.constant 0 : i32
        %lt3A_150 = arith.cmpi slt, %rem3A_146, %lt3A_149 : i32
        %lt3A_151 = arith.constant 0 : i32
        %lt3A_152 = arith.cmpi slt, %select_n3A_145, %lt3A_151 : i32
        %ne3A_153 = arith.xori %lt3A_150, %lt3A_152 : i1
        %and3A_154 = arith.andi %ne3A_153, %ne3A_148 : i1
        %add3A_155 = arith.addi %rem3A_146, %select_n3A_145 : i32
        %select_n3A_156 = arith.select %and3A_154, %add3A_155, %rem3A_146 : i32
        "tpu.region"() ({
          %run_scoped3A = tpu.sem_alloc : memref<!tpu.dma_semaphore, #tpu.memory_space<semaphore_mem>>
          %dma_start3A_157 = arith.constant 0 : i32
          %dma_start3A_158 = arith.constant 0 : i32
          %dma_start3A_159 = tpu.memref_slice %arg10[%select_n3A_156, %dma_start3A_157, %dma_start3A_158] : memref<2x80x128xf32, #tpu.memory_space<vmem>> -> memref<1x80x128xf32, #tpu.memory_space<vmem>>
          %dma_start3A_160 = tpu.memref_squeeze %dma_start3A_159 : memref<1x80x128xf32, #tpu.memory_space<vmem>> -> memref<80x128xf32, #tpu.memory_space<vmem>>
          %dma_start3A_161 = arith.constant 0 : i32
          %dma_start3A_162 = tpu.memref_slice %arg9[%scan3A_103, %dma_start3A_161] : memref<50x80xi32, #tpu.memory_space<vmem>> -> memref<1x80xi32, #tpu.memory_space<vmem>>
          %dma_start3A_163 = tpu.memref_squeeze %dma_start3A_162 : memref<1x80xi32, #tpu.memory_space<vmem>> -> memref<80xi32, #tpu.memory_space<vmem>>
          %dma_start3A_164 = arith.constant 0 : i32
          %dma_start3A_165 = arith.constant 0 : i32
          %dma_start3A_166 = tpu.memref_slice %arg11[%dma_start3A_164, %dma_start3A_165] : memref<10240x128xf32, #tpu.memory_space<vmem_shared>> -> memref<10240x128xf32, #tpu.memory_space<vmem_shared>>
          tpu.enqueue_indirect_dma source(%dma_start3A_160 : memref<80x128xf32, #tpu.memory_space<vmem>>) target(%dma_start3A_166 : memref<10240x128xf32, #tpu.memory_space<vmem_shared>>) offsets(%dma_start3A_163 : memref<80xi32, #tpu.memory_space<vmem>>) semaphore(%run_scoped3A : memref<!tpu.dma_semaphore, #tpu.memory_space<semaphore_mem>>) {add = true}
          %dma_wait3A_167 = arith.constant 0 : i32
          %dma_wait3A_168 = arith.constant 0 : i32
          %dma_wait3A_169 = tpu.memref_slice %arg10[%select_n3A_156, %dma_wait3A_167, %dma_wait3A_168] : memref<2x80x128xf32, #tpu.memory_space<vmem>> -> memref<1x80x128xf32, #tpu.memory_space<vmem>>
          %dma_wait3A_170 = tpu.memref_squeeze %dma_wait3A_169 : memref<1x80x128xf32, #tpu.memory_space<vmem>> -> memref<80x128xf32, #tpu.memory_space<vmem>>
          %dma_wait3A_171 = arith.constant 0 : i32
          %dma_wait3A_172 = tpu.memref_slice %arg9[%scan3A_103, %dma_wait3A_171] : memref<50x80xi32, #tpu.memory_space<vmem>> -> memref<1x80xi32, #tpu.memory_space<vmem>>
          %dma_wait3A_173 = tpu.memref_squeeze %dma_wait3A_172 : memref<1x80xi32, #tpu.memory_space<vmem>> -> memref<80xi32, #tpu.memory_space<vmem>>
          %dma_wait3A_174 = arith.constant 0 : i32
          %dma_wait3A_175 = arith.constant 0 : i32
          %dma_wait3A_176 = tpu.memref_slice %arg11[%dma_wait3A_174, %dma_wait3A_175] : memref<10240x128xf32, #tpu.memory_space<vmem_shared>> -> memref<10240x128xf32, #tpu.memory_space<vmem_shared>>
          tpu.wait_indirect_dma semaphore(%run_scoped3A : memref<!tpu.dma_semaphore, #tpu.memory_space<semaphore_mem>>) src(%dma_wait3A_170 : memref<80x128xf32, #tpu.memory_space<vmem>>) dst(%dma_wait3A_176 : memref<10240x128xf32, #tpu.memory_space<vmem_shared>>)
          tpu.yield
        }) : () -> ()
      }
      %scan3A_102 = arith.constant 2 : i32
    }
    %scan3A_25 = arith.constant 5 : i32
    %barrier3A_26 = arith.constant 0 : index
    tpu.barrier barrier_id(%barrier3A_26)
    %mul3A_27 = arith.constant 640 : i32
    %mul3A_28 = arith.muli %arg1, %mul3A_27 : i32
    %mul3A_29 = arith.constant 640 : i32
    %mul3A_30 = arith.muli %arg1, %mul3A_29 : i32
    %add3A_31 = arith.addi %mul3A_18, %mul3A_30 : i32
    "tpu.region"() ({
      %run_scoped3A = tpu.sem_alloc : memref<!tpu.dma_semaphore, #tpu.memory_space<semaphore_mem>>
      %dma_start3A = arith.constant 0 : i32
      %dma_start3A_55 = tpu.memref_slice %arg6[%add3A_31, %dma_start3A] : memref<40960x128xf32, #tpu.memory_space<hbm>> -> memref<640x128xf32, #tpu.memory_space<hbm>>
      %dma_start3A_56 = arith.constant 0 : i32
      %dma_start3A_57 = tpu.memref_slice %arg11[%mul3A_28, %dma_start3A_56] : memref<10240x128xf32, #tpu.memory_space<vmem_shared>> -> memref<640x128xf32, #tpu.memory_space<vmem_shared>>
      tpu.enqueue_dma source(%dma_start3A_57 : memref<640x128xf32, #tpu.memory_space<vmem_shared>>) target(%dma_start3A_55 : memref<640x128xf32, #tpu.memory_space<hbm>>) target_semaphore(%run_scoped3A : memref<!tpu.dma_semaphore, #tpu.memory_space<semaphore_mem>>)
      %dma_wait3A = arith.constant 0 : i32
      %dma_wait3A_58 = tpu.memref_slice %arg6[%add3A_31, %dma_wait3A] : memref<40960x128xf32, #tpu.memory_space<hbm>> -> memref<640x128xf32, #tpu.memory_space<hbm>>
      %dma_wait3A_59 = arith.constant 0 : i32
      %dma_wait3A_60 = tpu.memref_slice %arg11[%mul3A_28, %dma_wait3A_59] : memref<10240x128xf32, #tpu.memory_space<vmem_shared>> -> memref<640x128xf32, #tpu.memory_space<vmem_shared>>
      tpu.wait_dma2 semaphore(%run_scoped3A : memref<!tpu.dma_semaphore, #tpu.memory_space<semaphore_mem>>) src(%dma_wait3A_60 : memref<640x128xf32, #tpu.memory_space<vmem_shared>>) dst(%dma_wait3A_58 : memref<640x128xf32, #tpu.memory_space<hbm>>)
      tpu.yield
    }) : () -> ()
    %barrier3A_32 = arith.constant 0 : index
    tpu.barrier barrier_id(%barrier3A_32)
    %mul3A_33 = arith.constant 2 : i32
    %mul3A_34 = arith.muli %arg0, %mul3A_33 : i32
    %add3A_35 = arith.constant 1 : i32
    %add3A_36 = arith.addi %mul3A_34, %add3A_35 : i32
    %mul3A_37 = arith.constant 10240 : i32
    %mul3A_38 = arith.muli %add3A_36, %mul3A_37 : i32
    %mul3A_39 = arith.constant 640 : i32
    %mul3A_40 = arith.muli %arg1, %mul3A_39 : i32
    "tpu.region"() ({
      %run_scoped3A = tpu.sem_alloc : memref<!tpu.dma_semaphore, #tpu.memory_space<semaphore_mem>>
      %dma_start3A = arith.constant 0 : i32
      %dma_start3A_55 = tpu.memref_slice %arg11[%mul3A_40, %dma_start3A] : memref<10240x128xf32, #tpu.memory_space<vmem_shared>> -> memref<640x128xf32, #tpu.memory_space<vmem_shared>>
      tpu.enqueue_dma source(%arg5 : memref<640x128xf32, #tpu.memory_space<hbm>>) target(%dma_start3A_55 : memref<640x128xf32, #tpu.memory_space<vmem_shared>>) target_semaphore(%run_scoped3A : memref<!tpu.dma_semaphore, #tpu.memory_space<semaphore_mem>>)
      %dma_wait3A = arith.constant 0 : i32
      %dma_wait3A_56 = tpu.memref_slice %arg11[%mul3A_40, %dma_wait3A] : memref<10240x128xf32, #tpu.memory_space<vmem_shared>> -> memref<640x128xf32, #tpu.memory_space<vmem_shared>>
      tpu.wait_dma2 semaphore(%run_scoped3A : memref<!tpu.dma_semaphore, #tpu.memory_space<semaphore_mem>>) src(%arg5 : memref<640x128xf32, #tpu.memory_space<hbm>>) dst(%dma_wait3A_56 : memref<640x128xf32, #tpu.memory_space<vmem_shared>>)
      tpu.yield
    }) : () -> ()
    %barrier3A_41 = arith.constant 0 : index
    tpu.barrier barrier_id(%barrier3A_41)
    %scan3A_42 = arith.constant 0 : i32
    %scan3A_43 = arith.constant 0 : i32
    %scan3A_44 = arith.constant 5 : i32
    %scan3A_45 = arith.addi %scan3A_43, %scan3A_44 : i32
    %scan3A_46 = arith.constant 1 : i32
    scf.for %scan3A_55 = %scan3A_43 to %scan3A_45 step %scan3A_46  : i32 {
      "tpu.region"() ({
        %run_scoped3A = tpu.sem_alloc : memref<!tpu.dma_semaphore, #tpu.memory_space<semaphore_mem>>
        %dma_start3A_103 = arith.constant 0 : i32
        %dma_start3A_104 = arith.constant 0 : i32
        %dma_start3A_105 = tpu.memref_slice %arg3[%arg1, %scan3A_55, %dma_start3A_103, %dma_start3A_104] : memref<16x5x50x80xi32, #tpu.memory_space<hbm>> -> memref<1x1x50x80xi32, #tpu.memory_space<hbm>>
        %dma_start3A_106 = tpu.memref_squeeze %dma_start3A_105 : memref<1x1x50x80xi32, #tpu.memory_space<hbm>> -> memref<50x80xi32, #tpu.memory_space<hbm>>
        %dma_start3A_107 = arith.constant 0 : i32
        %dma_start3A_108 = arith.constant 0 : i32
        %dma_start3A_109 = tpu.memref_slice %arg3[%arg1, %scan3A_55, %dma_start3A_107, %dma_start3A_108] : memref<16x5x50x80xi32, #tpu.memory_space<hbm>> -> memref<1x1x50x80xi32, #tpu.memory_space<hbm>>
        %dma_start3A_110 = tpu.memref_squeeze %dma_start3A_109 : memref<1x1x50x80xi32, #tpu.memory_space<hbm>> -> memref<50x80xi32, #tpu.memory_space<hbm>>
        tpu.enqueue_dma source(%dma_start3A_110 : memref<50x80xi32, #tpu.memory_space<hbm>>) target(%arg7 : memref<50x80xi32, #tpu.memory_space<vmem>>) target_semaphore(%run_scoped3A : memref<!tpu.dma_semaphore, #tpu.memory_space<semaphore_mem>>)
        %dma_wait3A = arith.constant 0 : i32
        %dma_wait3A_111 = arith.constant 0 : i32
        %dma_wait3A_112 = tpu.memref_slice %arg3[%arg1, %scan3A_55, %dma_wait3A, %dma_wait3A_111] : memref<16x5x50x80xi32, #tpu.memory_space<hbm>> -> memref<1x1x50x80xi32, #tpu.memory_space<hbm>>
        %dma_wait3A_113 = tpu.memref_squeeze %dma_wait3A_112 : memref<1x1x50x80xi32, #tpu.memory_space<hbm>> -> memref<50x80xi32, #tpu.memory_space<hbm>>
        %dma_wait3A_114 = arith.constant 0 : i32
        %dma_wait3A_115 = arith.constant 0 : i32
        %dma_wait3A_116 = tpu.memref_slice %arg3[%arg1, %scan3A_55, %dma_wait3A_114, %dma_wait3A_115] : memref<16x5x50x80xi32, #tpu.memory_space<hbm>> -> memref<1x1x50x80xi32, #tpu.memory_space<hbm>>
        %dma_wait3A_117 = tpu.memref_squeeze %dma_wait3A_116 : memref<1x1x50x80xi32, #tpu.memory_space<hbm>> -> memref<50x80xi32, #tpu.memory_space<hbm>>
        tpu.wait_dma2 semaphore(%run_scoped3A : memref<!tpu.dma_semaphore, #tpu.memory_space<semaphore_mem>>) src(%dma_wait3A_117 : memref<50x80xi32, #tpu.memory_space<hbm>>) dst(%arg7 : memref<50x80xi32, #tpu.memory_space<vmem>>)
        tpu.yield
      }) : () -> ()
      "tpu.region"() ({
        %run_scoped3A = tpu.sem_alloc : memref<!tpu.dma_semaphore, #tpu.memory_space<semaphore_mem>>
        %dma_start3A_103 = arith.constant 0 : i32
        %dma_start3A_104 = arith.constant 0 : i32
        %dma_start3A_105 = tpu.memref_slice %arg4[%arg1, %scan3A_55, %dma_start3A_103, %dma_start3A_104] : memref<16x5x50x80xi32, #tpu.memory_space<hbm>> -> memref<1x1x50x80xi32, #tpu.memory_space<hbm>>
        %dma_start3A_106 = tpu.memref_squeeze %dma_start3A_105 : memref<1x1x50x80xi32, #tpu.memory_space<hbm>> -> memref<50x80xi32, #tpu.memory_space<hbm>>
        %dma_start3A_107 = arith.constant 0 : i32
        %dma_start3A_108 = arith.constant 0 : i32
        %dma_start3A_109 = tpu.memref_slice %arg4[%arg1, %scan3A_55, %dma_start3A_107, %dma_start3A_108] : memref<16x5x50x80xi32, #tpu.memory_space<hbm>> -> memref<1x1x50x80xi32, #tpu.memory_space<hbm>>
        %dma_start3A_110 = tpu.memref_squeeze %dma_start3A_109 : memref<1x1x50x80xi32, #tpu.memory_space<hbm>> -> memref<50x80xi32, #tpu.memory_space<hbm>>
        tpu.enqueue_dma source(%dma_start3A_110 : memref<50x80xi32, #tpu.memory_space<hbm>>) target(%arg8 : memref<50x80xi32, #tpu.memory_space<vmem>>) target_semaphore(%run_scoped3A : memref<!tpu.dma_semaphore, #tpu.memory_space<semaphore_mem>>)
        %dma_wait3A = arith.constant 0 : i32
        %dma_wait3A_111 = arith.constant 0 : i32
        %dma_wait3A_112 = tpu.memref_slice %arg4[%arg1, %scan3A_55, %dma_wait3A, %dma_wait3A_111] : memref<16x5x50x80xi32, #tpu.memory_space<hbm>> -> memref<1x1x50x80xi32, #tpu.memory_space<hbm>>
        %dma_wait3A_113 = tpu.memref_squeeze %dma_wait3A_112 : memref<1x1x50x80xi32, #tpu.memory_space<hbm>> -> memref<50x80xi32, #tpu.memory_space<hbm>>
        %dma_wait3A_114 = arith.constant 0 : i32
        %dma_wait3A_115 = arith.constant 0 : i32
        %dma_wait3A_116 = tpu.memref_slice %arg4[%arg1, %scan3A_55, %dma_wait3A_114, %dma_wait3A_115] : memref<16x5x50x80xi32, #tpu.memory_space<hbm>> -> memref<1x1x50x80xi32, #tpu.memory_space<hbm>>
        %dma_wait3A_117 = tpu.memref_squeeze %dma_wait3A_116 : memref<1x1x50x80xi32, #tpu.memory_space<hbm>> -> memref<50x80xi32, #tpu.memory_space<hbm>>
        tpu.wait_dma2 semaphore(%run_scoped3A : memref<!tpu.dma_semaphore, #tpu.memory_space<semaphore_mem>>) src(%dma_wait3A_117 : memref<50x80xi32, #tpu.memory_space<hbm>>) dst(%arg8 : memref<50x80xi32, #tpu.memory_space<vmem>>)
        tpu.yield
      }) : () -> ()
      %dma_start3A = arith.constant 0 : i32
      %dma_start3A_56 = arith.constant 0 : i32
      %dma_start3A_57 = arith.constant 0 : i32
      %dma_start3A_58 = arith.constant 0 : i32
      %dma_start3A_59 = arith.constant 0 : i32
      %dma_start3A_60 = tpu.memref_slice %arg10[%dma_start3A_56, %dma_start3A_58, %dma_start3A_59] : memref<2x80x128xf32, #tpu.memory_space<vmem>> -> memref<1x80x128xf32, #tpu.memory_space<vmem>>
      %dma_start3A_61 = tpu.memref_squeeze %dma_start3A_60 : memref<1x80x128xf32, #tpu.memory_space<vmem>> -> memref<80x128xf32, #tpu.memory_space<vmem>>
      %dma_start3A_62 = arith.constant 0 : i32
      %dma_start3A_63 = tpu.memref_slice %arg8[%dma_start3A, %dma_start3A_62] : memref<50x80xi32, #tpu.memory_space<vmem>> -> memref<1x80xi32, #tpu.memory_space<vmem>>
      %dma_start3A_64 = tpu.memref_squeeze %dma_start3A_63 : memref<1x80xi32, #tpu.memory_space<vmem>> -> memref<80xi32, #tpu.memory_space<vmem>>
      %dma_start3A_65 = arith.constant 0 : i32
      %dma_start3A_66 = arith.constant 0 : i32
      %dma_start3A_67 = tpu.memref_slice %arg2[%dma_start3A_65, %dma_start3A_66] : memref<10000x128xf32, #tpu.memory_space<hbm>> -> memref<10000x128xf32, #tpu.memory_space<hbm>>
      %dma_start3A_68 = tpu.memref_slice %arg12[%dma_start3A_57] : memref<2x!tpu.dma_semaphore, #tpu.memory_space<semaphore_mem>> -> memref<1x!tpu.dma_semaphore, #tpu.memory_space<semaphore_mem>>
      %dma_start3A_69 = tpu.memref_squeeze %dma_start3A_68 : memref<1x!tpu.dma_semaphore, #tpu.memory_space<semaphore_mem>> -> memref<!tpu.dma_semaphore, #tpu.memory_space<semaphore_mem>>
      tpu.enqueue_indirect_dma source(%dma_start3A_67 : memref<10000x128xf32, #tpu.memory_space<hbm>>) target(%dma_start3A_61 : memref<80x128xf32, #tpu.memory_space<vmem>>) offsets(%dma_start3A_64 : memref<80xi32, #tpu.memory_space<vmem>>) semaphore(%dma_start3A_69 : memref<!tpu.dma_semaphore, #tpu.memory_space<semaphore_mem>>)
      %dma_start3A_70 = arith.constant 1 : i32
      %dma_start3A_71 = arith.constant 1 : i32
      %dma_start3A_72 = arith.constant 1 : i32
      %dma_start3A_73 = arith.constant 0 : i32
      %dma_start3A_74 = arith.constant 0 : i32
      %dma_start3A_75 = tpu.memref_slice %arg10[%dma_start3A_71, %dma_start3A_73, %dma_start3A_74] : memref<2x80x128xf32, #tpu.memory_space<vmem>> -> memref<1x80x128xf32, #tpu.memory_space<vmem>>
      %dma_start3A_76 = tpu.memref_squeeze %dma_start3A_75 : memref<1x80x128xf32, #tpu.memory_space<vmem>> -> memref<80x128xf32, #tpu.memory_space<vmem>>
      %dma_start3A_77 = arith.constant 0 : i32
      %dma_start3A_78 = tpu.memref_slice %arg8[%dma_start3A_70, %dma_start3A_77] : memref<50x80xi32, #tpu.memory_space<vmem>> -> memref<1x80xi32, #tpu.memory_space<vmem>>
      %dma_start3A_79 = tpu.memref_squeeze %dma_start3A_78 : memref<1x80xi32, #tpu.memory_space<vmem>> -> memref<80xi32, #tpu.memory_space<vmem>>
      %dma_start3A_80 = arith.constant 0 : i32
      %dma_start3A_81 = arith.constant 0 : i32
      %dma_start3A_82 = tpu.memref_slice %arg2[%dma_start3A_80, %dma_start3A_81] : memref<10000x128xf32, #tpu.memory_space<hbm>> -> memref<10000x128xf32, #tpu.memory_space<hbm>>
      %dma_start3A_83 = tpu.memref_slice %arg12[%dma_start3A_72] : memref<2x!tpu.dma_semaphore, #tpu.memory_space<semaphore_mem>> -> memref<1x!tpu.dma_semaphore, #tpu.memory_space<semaphore_mem>>
      %dma_start3A_84 = tpu.memref_squeeze %dma_start3A_83 : memref<1x!tpu.dma_semaphore, #tpu.memory_space<semaphore_mem>> -> memref<!tpu.dma_semaphore, #tpu.memory_space<semaphore_mem>>
      tpu.enqueue_indirect_dma source(%dma_start3A_82 : memref<10000x128xf32, #tpu.memory_space<hbm>>) target(%dma_start3A_76 : memref<80x128xf32, #tpu.memory_space<vmem>>) offsets(%dma_start3A_79 : memref<80xi32, #tpu.memory_space<vmem>>) semaphore(%dma_start3A_84 : memref<!tpu.dma_semaphore, #tpu.memory_space<semaphore_mem>>)
      %scan3A_85 = arith.constant 0 : i32
      %scan3A_86 = arith.constant 0 : i32
      %scan3A_87 = arith.constant 250 : i32
      %scan3A_88 = arith.addi %scan3A_86, %scan3A_87 : i32
      %scan3A_89 = arith.constant 1 : i32
      scf.for %scan3A_103 = %scan3A_86 to %scan3A_88 step %scan3A_89  : i32 {
        %jit3A = arith.constant 5 : i32
        %div3A = arith.divsi %scan3A_103, %jit3A : i32
        %sign3A = arith.constant 0 : i32
        %sign3A_104 = arith.cmpi sgt, %scan3A_103, %sign3A : i32
        %sign3A_105 = arith.extui %sign3A_104 : i1 to i32
        %sign3A_106 = arith.constant 0 : i32
        %sign3A_107 = arith.cmpi slt, %scan3A_103, %sign3A_106 : i32
        %sign3A_108 = arith.extui %sign3A_107 : i1 to i32
        %sign3A_109 = arith.subi %sign3A_105, %sign3A_108 : i32
        %sign3A_110 = arith.constant 0 : i32
        %sign3A_111 = arith.cmpi sgt, %jit3A, %sign3A_110 : i32
        %sign3A_112 = arith.extui %sign3A_111 : i1 to i32
        %sign3A_113 = arith.constant 0 : i32
        %sign3A_114 = arith.cmpi slt, %jit3A, %sign3A_113 : i32
        %sign3A_115 = arith.extui %sign3A_114 : i1 to i32
        %sign3A_116 = arith.subi %sign3A_112, %sign3A_115 : i32
        %ne3A = arith.cmpi ne, %sign3A_109, %sign3A_116 : i32
        %rem3A = arith.remsi %scan3A_103, %jit3A : i32
        %ne3A_117 = arith.constant 0 : i32
        %ne3A_118 = arith.cmpi ne, %rem3A, %ne3A_117 : i32
        %and3A_119 = arith.andi %ne3A, %ne3A_118 : i1
        %sub3A = arith.constant 1 : i32
        %sub3A_120 = arith.subi %div3A, %sub3A : i32
        %select_n3A = arith.select %and3A_119, %sub3A_120, %div3A : i32
        %jit3A_121 = arith.constant 5 : i32
        %eq3A = arith.constant 0 : i32
        %eq3A_122 = arith.cmpi eq, %jit3A_121, %eq3A : i32
        %jit3A_123 = arith.constant 1 : i32
        %select_n3A_124 = arith.select %eq3A_122, %jit3A_123, %jit3A_121 : i32
        %rem3A_125 = arith.remsi %scan3A_103, %select_n3A_124 : i32
        %ne3A_126 = arith.constant 0 : i32
        %ne3A_127 = arith.cmpi ne, %rem3A_125, %ne3A_126 : i32
        %lt3A = arith.constant 0 : i32
        %lt3A_128 = arith.cmpi slt, %rem3A_125, %lt3A : i32
        %lt3A_129 = arith.constant 0 : i32
        %lt3A_130 = arith.cmpi slt, %select_n3A_124, %lt3A_129 : i32
        %ne3A_131 = arith.xori %lt3A_128, %lt3A_130 : i1
        %and3A_132 = arith.andi %ne3A_131, %ne3A_127 : i1
        %add3A_133 = arith.addi %rem3A_125, %select_n3A_124 : i32
        %select_n3A_134 = arith.select %and3A_132, %add3A_133, %rem3A_125 : i32
        %mul3A_135 = arith.constant 16 : i32
        %mul3A_136 = arith.muli %select_n3A_134, %mul3A_135 : i32
        %get3A = arith.index_cast %select_n3A : i32 to index
        %get3A_137 = arith.index_cast %mul3A_136 : i32 to index
        %get3A_138 = tpu.vector_load %arg7[%get3A, %get3A_137] {strides = array<i32>} : memref<50x80xi32, #tpu.memory_space<vmem>>, vector<1x16xi32>,
        %get3A_139 = vector.shape_cast %get3A_138 : vector<1x16xi32> to vector<16xi32>
        %sub3A_140 = vector.broadcast %mul3A_38 : i32 to vector<16xi32>
        %sub3A_141 = arith.subi %get3A_139, %sub3A_140 : vector<16xi32>
        %ge3A = arith.constant 0 : i32
        %ge3A_142 = vector.broadcast %ge3A : i32 to vector<16xi32>
        %ge3A_143 = arith.cmpi sge, %sub3A_141, %ge3A_142 : vector<16xi32>
        %lt3A_144 = arith.constant 10240 : i32
        %lt3A_145 = vector.broadcast %lt3A_144 : i32 to vector<16xi32>
        %lt3A_146 = arith.cmpi slt, %sub3A_141, %lt3A_145 : vector<16xi32>
        %and3A_147 = arith.andi %ge3A_143, %lt3A_146 : vector<16xi1>
        %select_n3A_148 = arith.select %and3A_147, %sub3A_141, %add3A_12 : vector<16xi1>, vector<16xi32>
        %swap3A = arith.index_cast %select_n3A : i32 to index
        %swap3A_149 = arith.index_cast %mul3A_136 : i32 to index
        %swap3A_150 = tpu.vector_load %arg9[%swap3A, %swap3A_149] {strides = array<i32>} : memref<50x80xi32, #tpu.memory_space<vmem>>, vector<1x16xi32>,
        %swap3A_151 = vector.shape_cast %swap3A_150 : vector<1x16xi32> to vector<16xi32>
        %swap3A_152 = vector.shape_cast %select_n3A_148 : vector<16xi32> to vector<1x16xi32>
        tpu.vector_store %arg9[%swap3A, %swap3A_149], %swap3A_152 {strides = array<i32>} : memref<50x80xi32, #tpu.memory_space<vmem>>, vector<1x16xi32>,
      }
      %scan3A_90 = arith.constant 250 : i32
      %scan3A_91 = arith.constant 0 : i32
      %scan3A_92 = arith.constant 0 : i32
      %scan3A_93 = arith.constant 48 : i32
      %scan3A_94 = arith.addi %scan3A_92, %scan3A_93 : i32
      %scan3A_95 = arith.constant 1 : i32
      scf.for %scan3A_103 = %scan3A_92 to %scan3A_94 step %scan3A_95  : i32 {
        %jit3A = arith.constant 2 : i32
        %eq3A = arith.constant 0 : i32
        %eq3A_104 = arith.cmpi eq, %jit3A, %eq3A : i32
        %jit3A_105 = arith.constant 1 : i32
        %select_n3A = arith.select %eq3A_104, %jit3A_105, %jit3A : i32
        %rem3A = arith.remsi %scan3A_103, %select_n3A : i32
        %ne3A = arith.constant 0 : i32
        %ne3A_106 = arith.cmpi ne, %rem3A, %ne3A : i32
        %lt3A = arith.constant 0 : i32
        %lt3A_107 = arith.cmpi slt, %rem3A, %lt3A : i32
        %lt3A_108 = arith.constant 0 : i32
        %lt3A_109 = arith.cmpi slt, %select_n3A, %lt3A_108 : i32
        %ne3A_110 = arith.xori %lt3A_107, %lt3A_109 : i1
        %and3A_111 = arith.andi %ne3A_110, %ne3A_106 : i1
        %add3A_112 = arith.addi %rem3A, %select_n3A : i32
        %select_n3A_113 = arith.select %and3A_111, %add3A_112, %rem3A : i32
        %jit3A_114 = arith.constant 2 : i32
        %eq3A_115 = arith.constant 0 : i32
        %eq3A_116 = arith.cmpi eq, %jit3A_114, %eq3A_115 : i32
        %jit3A_117 = arith.constant 1 : i32
        %select_n3A_118 = arith.select %eq3A_116, %jit3A_117, %jit3A_114 : i32
        %rem3A_119 = arith.remsi %scan3A_103, %select_n3A_118 : i32
        %ne3A_120 = arith.constant 0 : i32
        %ne3A_121 = arith.cmpi ne, %rem3A_119, %ne3A_120 : i32
        %lt3A_122 = arith.constant 0 : i32
        %lt3A_123 = arith.cmpi slt, %rem3A_119, %lt3A_122 : i32
        %lt3A_124 = arith.constant 0 : i32
        %lt3A_125 = arith.cmpi slt, %select_n3A_118, %lt3A_124 : i32
        %ne3A_126 = arith.xori %lt3A_123, %lt3A_125 : i1
        %and3A_127 = arith.andi %ne3A_126, %ne3A_121 : i1
        %add3A_128 = arith.addi %rem3A_119, %select_n3A_118 : i32
        %select_n3A_129 = arith.select %and3A_127, %add3A_128, %rem3A_119 : i32
        %dma_wait3A = arith.constant 0 : i32
        %dma_wait3A_130 = arith.constant 0 : i32
        %dma_wait3A_131 = tpu.memref_slice %arg10[%select_n3A_113, %dma_wait3A, %dma_wait3A_130] : memref<2x80x128xf32, #tpu.memory_space<vmem>> -> memref<1x80x128xf32, #tpu.memory_space<vmem>>
        %dma_wait3A_132 = tpu.memref_squeeze %dma_wait3A_131 : memref<1x80x128xf32, #tpu.memory_space<vmem>> -> memref<80x128xf32, #tpu.memory_space<vmem>>
        %dma_wait3A_133 = arith.constant 0 : i32
        %dma_wait3A_134 = tpu.memref_slice %arg8[%scan3A_103, %dma_wait3A_133] : memref<50x80xi32, #tpu.memory_space<vmem>> -> memref<1x80xi32, #tpu.memory_space<vmem>>
        %dma_wait3A_135 = tpu.memref_squeeze %dma_wait3A_134 : memref<1x80xi32, #tpu.memory_space<vmem>> -> memref<80xi32, #tpu.memory_space<vmem>>
        %dma_wait3A_136 = arith.constant 0 : i32
        %dma_wait3A_137 = arith.constant 0 : i32
        %dma_wait3A_138 = tpu.memref_slice %arg2[%dma_wait3A_136, %dma_wait3A_137] : memref<10000x128xf32, #tpu.memory_space<hbm>> -> memref<10000x128xf32, #tpu.memory_space<hbm>>
        %dma_wait3A_139 = tpu.memref_slice %arg12[%select_n3A_129] : memref<2x!tpu.dma_semaphore, #tpu.memory_space<semaphore_mem>> -> memref<1x!tpu.dma_semaphore, #tpu.memory_space<semaphore_mem>>
        %dma_wait3A_140 = tpu.memref_squeeze %dma_wait3A_139 : memref<1x!tpu.dma_semaphore, #tpu.memory_space<semaphore_mem>> -> memref<!tpu.dma_semaphore, #tpu.memory_space<semaphore_mem>>
        tpu.wait_indirect_dma semaphore(%dma_wait3A_140 : memref<!tpu.dma_semaphore, #tpu.memory_space<semaphore_mem>>) src(%dma_wait3A_138 : memref<10000x128xf32, #tpu.memory_space<hbm>>) dst(%dma_wait3A_132 : memref<80x128xf32, #tpu.memory_space<vmem>>)
        %jit3A_141 = arith.constant 2 : i32
        %eq3A_142 = arith.constant 0 : i32
        %eq3A_143 = arith.cmpi eq, %jit3A_141, %eq3A_142 : i32
        %jit3A_144 = arith.constant 1 : i32
        %select_n3A_145 = arith.select %eq3A_143, %jit3A_144, %jit3A_141 : i32
        %rem3A_146 = arith.remsi %scan3A_103, %select_n3A_145 : i32
        %ne3A_147 = arith.constant 0 : i32
        %ne3A_148 = arith.cmpi ne, %rem3A_146, %ne3A_147 : i32
        %lt3A_149 = arith.constant 0 : i32
        %lt3A_150 = arith.cmpi slt, %rem3A_146, %lt3A_149 : i32
        %lt3A_151 = arith.constant 0 : i32
        %lt3A_152 = arith.cmpi slt, %select_n3A_145, %lt3A_151 : i32
        %ne3A_153 = arith.xori %lt3A_150, %lt3A_152 : i1
        %and3A_154 = arith.andi %ne3A_153, %ne3A_148 : i1
        %add3A_155 = arith.addi %rem3A_146, %select_n3A_145 : i32
        %select_n3A_156 = arith.select %and3A_154, %add3A_155, %rem3A_146 : i32
        "tpu.region"() ({
          %run_scoped3A = tpu.sem_alloc : memref<!tpu.dma_semaphore, #tpu.memory_space<semaphore_mem>>
          %dma_start3A_203 = arith.constant 0 : i32
          %dma_start3A_204 = arith.constant 0 : i32
          %dma_start3A_205 = tpu.memref_slice %arg10[%select_n3A_156, %dma_start3A_203, %dma_start3A_204] : memref<2x80x128xf32, #tpu.memory_space<vmem>> -> memref<1x80x128xf32, #tpu.memory_space<vmem>>
          %dma_start3A_206 = tpu.memref_squeeze %dma_start3A_205 : memref<1x80x128xf32, #tpu.memory_space<vmem>> -> memref<80x128xf32, #tpu.memory_space<vmem>>
          %dma_start3A_207 = arith.constant 0 : i32
          %dma_start3A_208 = tpu.memref_slice %arg9[%scan3A_103, %dma_start3A_207] : memref<50x80xi32, #tpu.memory_space<vmem>> -> memref<1x80xi32, #tpu.memory_space<vmem>>
          %dma_start3A_209 = tpu.memref_squeeze %dma_start3A_208 : memref<1x80xi32, #tpu.memory_space<vmem>> -> memref<80xi32, #tpu.memory_space<vmem>>
          %dma_start3A_210 = arith.constant 0 : i32
          %dma_start3A_211 = arith.constant 0 : i32
          %dma_start3A_212 = tpu.memref_slice %arg11[%dma_start3A_210, %dma_start3A_211] : memref<10240x128xf32, #tpu.memory_space<vmem_shared>> -> memref<10240x128xf32, #tpu.memory_space<vmem_shared>>
          tpu.enqueue_indirect_dma source(%dma_start3A_206 : memref<80x128xf32, #tpu.memory_space<vmem>>) target(%dma_start3A_212 : memref<10240x128xf32, #tpu.memory_space<vmem_shared>>) offsets(%dma_start3A_209 : memref<80xi32, #tpu.memory_space<vmem>>) semaphore(%run_scoped3A : memref<!tpu.dma_semaphore, #tpu.memory_space<semaphore_mem>>) {add = true}
          %dma_wait3A_213 = arith.constant 0 : i32
          %dma_wait3A_214 = arith.constant 0 : i32
          %dma_wait3A_215 = tpu.memref_slice %arg10[%select_n3A_156, %dma_wait3A_213, %dma_wait3A_214] : memref<2x80x128xf32, #tpu.memory_space<vmem>> -> memref<1x80x128xf32, #tpu.memory_space<vmem>>
          %dma_wait3A_216 = tpu.memref_squeeze %dma_wait3A_215 : memref<1x80x128xf32, #tpu.memory_space<vmem>> -> memref<80x128xf32, #tpu.memory_space<vmem>>
          %dma_wait3A_217 = arith.constant 0 : i32
          %dma_wait3A_218 = tpu.memref_slice %arg9[%scan3A_103, %dma_wait3A_217] : memref<50x80xi32, #tpu.memory_space<vmem>> -> memref<1x80xi32, #tpu.memory_space<vmem>>
          %dma_wait3A_219 = tpu.memref_squeeze %dma_wait3A_218 : memref<1x80xi32, #tpu.memory_space<vmem>> -> memref<80xi32, #tpu.memory_space<vmem>>
          %dma_wait3A_220 = arith.constant 0 : i32
          %dma_wait3A_221 = arith.constant 0 : i32
          %dma_wait3A_222 = tpu.memref_slice %arg11[%dma_wait3A_220, %dma_wait3A_221] : memref<10240x128xf32, #tpu.memory_space<vmem_shared>> -> memref<10240x128xf32, #tpu.memory_space<vmem_shared>>
          tpu.wait_indirect_dma semaphore(%run_scoped3A : memref<!tpu.dma_semaphore, #tpu.memory_space<semaphore_mem>>) src(%dma_wait3A_216 : memref<80x128xf32, #tpu.memory_space<vmem>>) dst(%dma_wait3A_222 : memref<10240x128xf32, #tpu.memory_space<vmem_shared>>)
          tpu.yield
        }) : () -> ()
        %add3A_157 = arith.constant 2 : i32
        %add3A_158 = arith.addi %scan3A_103, %add3A_157 : i32
        %jit3A_159 = arith.constant 2 : i32
        %eq3A_160 = arith.constant 0 : i32
        %eq3A_161 = arith.cmpi eq, %jit3A_159, %eq3A_160 : i32
        %jit3A_162 = arith.constant 1 : i32
        %select_n3A_163 = arith.select %eq3A_161, %jit3A_162, %jit3A_159 : i32
        %rem3A_164 = arith.remsi %add3A_158, %select_n3A_163 : i32
        %ne3A_165 = arith.constant 0 : i32
        %ne3A_166 = arith.cmpi ne, %rem3A_164, %ne3A_165 : i32
        %lt3A_167 = arith.constant 0 : i32
        %lt3A_168 = arith.cmpi slt, %rem3A_164, %lt3A_167 : i32
        %lt3A_169 = arith.constant 0 : i32
        %lt3A_170 = arith.cmpi slt, %select_n3A_163, %lt3A_169 : i32
        %ne3A_171 = arith.xori %lt3A_168, %lt3A_170 : i1
        %and3A_172 = arith.andi %ne3A_171, %ne3A_166 : i1
        %add3A_173 = arith.addi %rem3A_164, %select_n3A_163 : i32
        %select_n3A_174 = arith.select %and3A_172, %add3A_173, %rem3A_164 : i32
        %jit3A_175 = arith.constant 2 : i32
        %eq3A_176 = arith.constant 0 : i32
        %eq3A_177 = arith.cmpi eq, %jit3A_175, %eq3A_176 : i32
        %jit3A_178 = arith.constant 1 : i32
        %select_n3A_179 = arith.select %eq3A_177, %jit3A_178, %jit3A_175 : i32
        %rem3A_180 = arith.remsi %add3A_158, %select_n3A_179 : i32
        %ne3A_181 = arith.constant 0 : i32
        %ne3A_182 = arith.cmpi ne, %rem3A_180, %ne3A_181 : i32
        %lt3A_183 = arith.constant 0 : i32
        %lt3A_184 = arith.cmpi slt, %rem3A_180, %lt3A_183 : i32
        %lt3A_185 = arith.constant 0 : i32
        %lt3A_186 = arith.cmpi slt, %select_n3A_179, %lt3A_185 : i32
        %ne3A_187 = arith.xori %lt3A_184, %lt3A_186 : i1
        %and3A_188 = arith.andi %ne3A_187, %ne3A_182 : i1
        %add3A_189 = arith.addi %rem3A_180, %select_n3A_179 : i32
        %select_n3A_190 = arith.select %and3A_188, %add3A_189, %rem3A_180 : i32
        %dma_start3A_191 = arith.constant 0 : i32
        %dma_start3A_192 = arith.constant 0 : i32
        %dma_start3A_193 = tpu.memref_slice %arg10[%select_n3A_174, %dma_start3A_191, %dma_start3A_192] : memref<2x80x128xf32, #tpu.memory_space<vmem>> -> memref<1x80x128xf32, #tpu.memory_space<vmem>>
        %dma_start3A_194 = tpu.memref_squeeze %dma_start3A_193 : memref<1x80x128xf32, #tpu.memory_space<vmem>> -> memref<80x128xf32, #tpu.memory_space<vmem>>
        %dma_start3A_195 = arith.constant 0 : i32
        %dma_start3A_196 = tpu.memref_slice %arg8[%add3A_158, %dma_start3A_195] : memref<50x80xi32, #tpu.memory_space<vmem>> -> memref<1x80xi32, #tpu.memory_space<vmem>>
        %dma_start3A_197 = tpu.memref_squeeze %dma_start3A_196 : memref<1x80xi32, #tpu.memory_space<vmem>> -> memref<80xi32, #tpu.memory_space<vmem>>
        %dma_start3A_198 = arith.constant 0 : i32
        %dma_start3A_199 = arith.constant 0 : i32
        %dma_start3A_200 = tpu.memref_slice %arg2[%dma_start3A_198, %dma_start3A_199] : memref<10000x128xf32, #tpu.memory_space<hbm>> -> memref<10000x128xf32, #tpu.memory_space<hbm>>
        %dma_start3A_201 = tpu.memref_slice %arg12[%select_n3A_190] : memref<2x!tpu.dma_semaphore, #tpu.memory_space<semaphore_mem>> -> memref<1x!tpu.dma_semaphore, #tpu.memory_space<semaphore_mem>>
        %dma_start3A_202 = tpu.memref_squeeze %dma_start3A_201 : memref<1x!tpu.dma_semaphore, #tpu.memory_space<semaphore_mem>> -> memref<!tpu.dma_semaphore, #tpu.memory_space<semaphore_mem>>
        tpu.enqueue_indirect_dma source(%dma_start3A_200 : memref<10000x128xf32, #tpu.memory_space<hbm>>) target(%dma_start3A_194 : memref<80x128xf32, #tpu.memory_space<vmem>>) offsets(%dma_start3A_197 : memref<80xi32, #tpu.memory_space<vmem>>) semaphore(%dma_start3A_202 : memref<!tpu.dma_semaphore, #tpu.memory_space<semaphore_mem>>)
      }
      %scan3A_96 = arith.constant 48 : i32
      %scan3A_97 = arith.constant 0 : i32
      %scan3A_98 = arith.constant 48 : i32
      %scan3A_99 = arith.constant 2 : i32
      %scan3A_100 = arith.addi %scan3A_98, %scan3A_99 : i32
      %scan3A_101 = arith.constant 1 : i32
      scf.for %scan3A_103 = %scan3A_98 to %scan3A_100 step %scan3A_101  : i32 {
        %jit3A = arith.constant 2 : i32
        %eq3A = arith.constant 0 : i32
        %eq3A_104 = arith.cmpi eq, %jit3A, %eq3A : i32
        %jit3A_105 = arith.constant 1 : i32
        %select_n3A = arith.select %eq3A_104, %jit3A_105, %jit3A : i32
        %rem3A = arith.remsi %scan3A_103, %select_n3A : i32
        %ne3A = arith.constant 0 : i32
        %ne3A_106 = arith.cmpi ne, %rem3A, %ne3A : i32
        %lt3A = arith.constant 0 : i32
        %lt3A_107 = arith.cmpi slt, %rem3A, %lt3A : i32
        %lt3A_108 = arith.constant 0 : i32
        %lt3A_109 = arith.cmpi slt, %select_n3A, %lt3A_108 : i32
        %ne3A_110 = arith.xori %lt3A_107, %lt3A_109 : i1
        %and3A_111 = arith.andi %ne3A_110, %ne3A_106 : i1
        %add3A_112 = arith.addi %rem3A, %select_n3A : i32
        %select_n3A_113 = arith.select %and3A_111, %add3A_112, %rem3A : i32
        %jit3A_114 = arith.constant 2 : i32
        %eq3A_115 = arith.constant 0 : i32
        %eq3A_116 = arith.cmpi eq, %jit3A_114, %eq3A_115 : i32
        %jit3A_117 = arith.constant 1 : i32
        %select_n3A_118 = arith.select %eq3A_116, %jit3A_117, %jit3A_114 : i32
        %rem3A_119 = arith.remsi %scan3A_103, %select_n3A_118 : i32
        %ne3A_120 = arith.constant 0 : i32
        %ne3A_121 = arith.cmpi ne, %rem3A_119, %ne3A_120 : i32
        %lt3A_122 = arith.constant 0 : i32
        %lt3A_123 = arith.cmpi slt, %rem3A_119, %lt3A_122 : i32
        %lt3A_124 = arith.constant 0 : i32
        %lt3A_125 = arith.cmpi slt, %select_n3A_118, %lt3A_124 : i32
        %ne3A_126 = arith.xori %lt3A_123, %lt3A_125 : i1
        %and3A_127 = arith.andi %ne3A_126, %ne3A_121 : i1
        %add3A_128 = arith.addi %rem3A_119, %select_n3A_118 : i32
        %select_n3A_129 = arith.select %and3A_127, %add3A_128, %rem3A_119 : i32
        %dma_wait3A = arith.constant 0 : i32
        %dma_wait3A_130 = arith.constant 0 : i32
        %dma_wait3A_131 = tpu.memref_slice %arg10[%select_n3A_113, %dma_wait3A, %dma_wait3A_130] : memref<2x80x128xf32, #tpu.memory_space<vmem>> -> memref<1x80x128xf32, #tpu.memory_space<vmem>>
        %dma_wait3A_132 = tpu.memref_squeeze %dma_wait3A_131 : memref<1x80x128xf32, #tpu.memory_space<vmem>> -> memref<80x128xf32, #tpu.memory_space<vmem>>
        %dma_wait3A_133 = arith.constant 0 : i32
        %dma_wait3A_134 = tpu.memref_slice %arg8[%scan3A_103, %dma_wait3A_133] : memref<50x80xi32, #tpu.memory_space<vmem>> -> memref<1x80xi32, #tpu.memory_space<vmem>>
        %dma_wait3A_135 = tpu.memref_squeeze %dma_wait3A_134 : memref<1x80xi32, #tpu.memory_space<vmem>> -> memref<80xi32, #tpu.memory_space<vmem>>
        %dma_wait3A_136 = arith.constant 0 : i32
        %dma_wait3A_137 = arith.constant 0 : i32
        %dma_wait3A_138 = tpu.memref_slice %arg2[%dma_wait3A_136, %dma_wait3A_137] : memref<10000x128xf32, #tpu.memory_space<hbm>> -> memref<10000x128xf32, #tpu.memory_space<hbm>>
        %dma_wait3A_139 = tpu.memref_slice %arg12[%select_n3A_129] : memref<2x!tpu.dma_semaphore, #tpu.memory_space<semaphore_mem>> -> memref<1x!tpu.dma_semaphore, #tpu.memory_space<semaphore_mem>>
        %dma_wait3A_140 = tpu.memref_squeeze %dma_wait3A_139 : memref<1x!tpu.dma_semaphore, #tpu.memory_space<semaphore_mem>> -> memref<!tpu.dma_semaphore, #tpu.memory_space<semaphore_mem>>
        tpu.wait_indirect_dma semaphore(%dma_wait3A_140 : memref<!tpu.dma_semaphore, #tpu.memory_space<semaphore_mem>>) src(%dma_wait3A_138 : memref<10000x128xf32, #tpu.memory_space<hbm>>) dst(%dma_wait3A_132 : memref<80x128xf32, #tpu.memory_space<vmem>>)
        %jit3A_141 = arith.constant 2 : i32
        %eq3A_142 = arith.constant 0 : i32
        %eq3A_143 = arith.cmpi eq, %jit3A_141, %eq3A_142 : i32
        %jit3A_144 = arith.constant 1 : i32
        %select_n3A_145 = arith.select %eq3A_143, %jit3A_144, %jit3A_141 : i32
        %rem3A_146 = arith.remsi %scan3A_103, %select_n3A_145 : i32
        %ne3A_147 = arith.constant 0 : i32
        %ne3A_148 = arith.cmpi ne, %rem3A_146, %ne3A_147 : i32
        %lt3A_149 = arith.constant 0 : i32
        %lt3A_150 = arith.cmpi slt, %rem3A_146, %lt3A_149 : i32
        %lt3A_151 = arith.constant 0 : i32
        %lt3A_152 = arith.cmpi slt, %select_n3A_145, %lt3A_151 : i32
        %ne3A_153 = arith.xori %lt3A_150, %lt3A_152 : i1
        %and3A_154 = arith.andi %ne3A_153, %ne3A_148 : i1
        %add3A_155 = arith.addi %rem3A_146, %select_n3A_145 : i32
        %select_n3A_156 = arith.select %and3A_154, %add3A_155, %rem3A_146 : i32
        "tpu.region"() ({
          %run_scoped3A = tpu.sem_alloc : memref<!tpu.dma_semaphore, #tpu.memory_space<semaphore_mem>>
          %dma_start3A_157 = arith.constant 0 : i32
          %dma_start3A_158 = arith.constant 0 : i32
          %dma_start3A_159 = tpu.memref_slice %arg10[%select_n3A_156, %dma_start3A_157, %dma_start3A_158] : memref<2x80x128xf32, #tpu.memory_space<vmem>> -> memref<1x80x128xf32, #tpu.memory_space<vmem>>
          %dma_start3A_160 = tpu.memref_squeeze %dma_start3A_159 : memref<1x80x128xf32, #tpu.memory_space<vmem>> -> memref<80x128xf32, #tpu.memory_space<vmem>>
          %dma_start3A_161 = arith.constant 0 : i32
          %dma_start3A_162 = tpu.memref_slice %arg9[%scan3A_103, %dma_start3A_161] : memref<50x80xi32, #tpu.memory_space<vmem>> -> memref<1x80xi32, #tpu.memory_space<vmem>>
          %dma_start3A_163 = tpu.memref_squeeze %dma_start3A_162 : memref<1x80xi32, #tpu.memory_space<vmem>> -> memref<80xi32, #tpu.memory_space<vmem>>
          %dma_start3A_164 = arith.constant 0 : i32
          %dma_start3A_165 = arith.constant 0 : i32
          %dma_start3A_166 = tpu.memref_slice %arg11[%dma_start3A_164, %dma_start3A_165] : memref<10240x128xf32, #tpu.memory_space<vmem_shared>> -> memref<10240x128xf32, #tpu.memory_space<vmem_shared>>
          tpu.enqueue_indirect_dma source(%dma_start3A_160 : memref<80x128xf32, #tpu.memory_space<vmem>>) target(%dma_start3A_166 : memref<10240x128xf32, #tpu.memory_space<vmem_shared>>) offsets(%dma_start3A_163 : memref<80xi32, #tpu.memory_space<vmem>>) semaphore(%run_scoped3A : memref<!tpu.dma_semaphore, #tpu.memory_space<semaphore_mem>>) {add = true}
          %dma_wait3A_167 = arith.constant 0 : i32
          %dma_wait3A_168 = arith.constant 0 : i32
          %dma_wait3A_169 = tpu.memref_slice %arg10[%select_n3A_156, %dma_wait3A_167, %dma_wait3A_168] : memref<2x80x128xf32, #tpu.memory_space<vmem>> -> memref<1x80x128xf32, #tpu.memory_space<vmem>>
          %dma_wait3A_170 = tpu.memref_squeeze %dma_wait3A_169 : memref<1x80x128xf32, #tpu.memory_space<vmem>> -> memref<80x128xf32, #tpu.memory_space<vmem>>
          %dma_wait3A_171 = arith.constant 0 : i32
          %dma_wait3A_172 = tpu.memref_slice %arg9[%scan3A_103, %dma_wait3A_171] : memref<50x80xi32, #tpu.memory_space<vmem>> -> memref<1x80xi32, #tpu.memory_space<vmem>>
          %dma_wait3A_173 = tpu.memref_squeeze %dma_wait3A_172 : memref<1x80xi32, #tpu.memory_space<vmem>> -> memref<80xi32, #tpu.memory_space<vmem>>
          %dma_wait3A_174 = arith.constant 0 : i32
          %dma_wait3A_175 = arith.constant 0 : i32
          %dma_wait3A_176 = tpu.memref_slice %arg11[%dma_wait3A_174, %dma_wait3A_175] : memref<10240x128xf32, #tpu.memory_space<vmem_shared>> -> memref<10240x128xf32, #tpu.memory_space<vmem_shared>>
          tpu.wait_indirect_dma semaphore(%run_scoped3A : memref<!tpu.dma_semaphore, #tpu.memory_space<semaphore_mem>>) src(%dma_wait3A_170 : memref<80x128xf32, #tpu.memory_space<vmem>>) dst(%dma_wait3A_176 : memref<10240x128xf32, #tpu.memory_space<vmem_shared>>)
          tpu.yield
        }) : () -> ()
      }
      %scan3A_102 = arith.constant 2 : i32
    }
    %scan3A_47 = arith.constant 5 : i32
    %barrier3A_48 = arith.constant 0 : index
    tpu.barrier barrier_id(%barrier3A_48)
    %mul3A_49 = arith.constant 640 : i32
    %mul3A_50 = arith.muli %arg1, %mul3A_49 : i32
    %mul3A_51 = arith.constant 640 : i32
    %mul3A_52 = arith.muli %arg1, %mul3A_51 : i32
    %add3A_53 = arith.addi %mul3A_38, %mul3A_52 : i32
    "tpu.region"() ({
      %run_scoped3A = tpu.sem_alloc : memref<!tpu.dma_semaphore, #tpu.memory_space<semaphore_mem>>
      %dma_start3A = arith.constant 0 : i32
      %dma_start3A_55 = tpu.memref_slice %arg6[%add3A_53, %dma_start3A] : memref<40960x128xf32, #tpu.memory_space<hbm>> -> memref<640x128xf32, #tpu.memory_space<hbm>>
      %dma_start3A_56 = arith.constant 0 : i32
      %dma_start3A_57 = tpu.memref_slice %arg11[%mul3A_50, %dma_start3A_56] : memref<10240x128xf32, #tpu.memory_space<vmem_shared>> -> memref<640x128xf32, #tpu.memory_space<vmem_shared>>
      tpu.enqueue_dma source(%dma_start3A_57 : memref<640x128xf32, #tpu.memory_space<vmem_shared>>) target(%dma_start3A_55 : memref<640x128xf32, #tpu.memory_space<hbm>>) target_semaphore(%run_scoped3A : memref<!tpu.dma_semaphore, #tpu.memory_space<semaphore_mem>>)
      %dma_wait3A = arith.constant 0 : i32
      %dma_wait3A_58 = tpu.memref_slice %arg6[%add3A_53, %dma_wait3A] : memref<40960x128xf32, #tpu.memory_space<hbm>> -> memref<640x128xf32, #tpu.memory_space<hbm>>
      %dma_wait3A_59 = arith.constant 0 : i32
      %dma_wait3A_60 = tpu.memref_slice %arg11[%mul3A_50, %dma_wait3A_59] : memref<10240x128xf32, #tpu.memory_space<vmem_shared>> -> memref<640x128xf32, #tpu.memory_space<vmem_shared>>
      tpu.wait_dma2 semaphore(%run_scoped3A : memref<!tpu.dma_semaphore, #tpu.memory_space<semaphore_mem>>) src(%dma_wait3A_60 : memref<640x128xf32, #tpu.memory_space<vmem_shared>>) dst(%dma_wait3A_58 : memref<640x128xf32, #tpu.memory_space<hbm>>)
      tpu.yield
    }) : () -> ()
    %barrier3A_54 = arith.constant 0 : index
    tpu.barrier barrier_id(%barrier3A_54)
    return
  }
}

module attributes {stable_mosaic.version = 14 : i64} {
  func.func @_clause_lstm_body(%arg0: i32, %arg1: memref<1x2000x128xf32, #tpu.memory_space<vmem>>, %arg2: memref<1x2000x128xf32, #tpu.memory_space<vmem>>, %arg3: memref<2000x128xf32, #tpu.memory_space<vmem>>, %arg4: memref<2000x128xf32, #tpu.memory_space<vmem>>, %arg5: memref<128x512xf32, #tpu.memory_space<vmem>>, %arg6: memref<128x512xf32, #tpu.memory_space<vmem>>, %arg7: memref<1x512xf32, #tpu.memory_space<vmem>>, %arg8: memref<2000x128xf32, #tpu.memory_space<vmem>>, %arg9: memref<2000x128xf32, #tpu.memory_space<vmem>>) attributes {dimension_semantics = [#tpu.dimension_semantics<arbitrary>], iteration_bounds = array<i64: 5>, scalar_prefetch = 0 : i64, scratch_operands = 0 : i64, tpu.core_type = #tpu.core_type<tc>, window_params = [{transform_indices = @transform_0, window_bounds = array<i64: 1, 2000, 128>}, {transform_indices = @transform_1, window_bounds = array<i64: 1, 2000, 128>}, {transform_indices = @transform_2, window_bounds = array<i64: 2000, 128>}, {transform_indices = @transform_3, window_bounds = array<i64: 2000, 128>}, {pipeline_mode = #tpu.pipeline_mode<synchronous>, transform_indices = @transform_4, window_bounds = array<i64: 128, 512>}, {pipeline_mode = #tpu.pipeline_mode<synchronous>, transform_indices = @transform_5, window_bounds = array<i64: 128, 512>}, {pipeline_mode = #tpu.pipeline_mode<synchronous>, transform_indices = @transform_6, window_bounds = array<i64: 1, 512>}, {transform_indices = @transform_7, window_bounds = array<i64: 2000, 128>}, {transform_indices = @transform_8, window_bounds = array<i64: 2000, 128>}]} {
    %get3A = arith.constant 0 : index
    %get3A_0 = arith.constant 0 : index
    %get3A_1 = arith.constant 0 : index
    %get3A_2 = vector.load %arg1[%get3A, %get3A_0, %get3A_1] : memref<1x2000x128xf32, #tpu.memory_space<vmem>>, vector<1x2000x128xf32>
    %get3A_3 = vector.shape_cast %get3A_2 : vector<1x2000x128xf32> to vector<2000x128xf32>
    %get3A_4 = arith.constant 0 : index
    %get3A_5 = arith.constant 0 : index
    %get3A_6 = arith.constant 0 : index
    %get3A_7 = vector.load %arg2[%get3A_4, %get3A_5, %get3A_6] : memref<1x2000x128xf32, #tpu.memory_space<vmem>>, vector<1x2000x128xf32>
    %get3A_8 = vector.shape_cast %get3A_7 : vector<1x2000x128xf32> to vector<2000x128xf32>
    %add3A = arith.addf %get3A_3, %get3A_8 : vector<2000x128xf32>
    %get3A_9 = arith.constant 0 : index
    %get3A_10 = arith.constant 0 : index
    %get3A_11 = vector.load %arg5[%get3A_9, %get3A_10] : memref<128x512xf32, #tpu.memory_space<vmem>>, vector<128x512xf32>
    %dot_general3A = arith.constant dense<0.000000e+00> : vector<2000x512xf32>
    %dot_general3A_12 = tpu.matmul %add3A, %get3A_11, %dot_general3A {dimension_numbers = #tpu.dot_dimension_numbers<[1], [0], [0], [1], [0, 0, 1, 1], [], []>, transpose_lhs_hint = false} : vector<2000x128xf32>, vector<128x512xf32>, vector<2000x512xf32> -> vector<2000x512xf32>
    %get3A_13 = arith.constant 0 : index
    %get3A_14 = arith.constant 0 : index
    %get3A_15 = vector.load %arg3[%get3A_13, %get3A_14] : memref<2000x128xf32, #tpu.memory_space<vmem>>, vector<2000x128xf32>
    %get3A_16 = arith.constant 0 : index
    %get3A_17 = arith.constant 0 : index
    %get3A_18 = vector.load %arg6[%get3A_16, %get3A_17] : memref<128x512xf32, #tpu.memory_space<vmem>>, vector<128x512xf32>
    %dot_general3A_19 = arith.constant dense<0.000000e+00> : vector<2000x512xf32>
    %dot_general3A_20 = tpu.matmul %get3A_15, %get3A_18, %dot_general3A_19 {dimension_numbers = #tpu.dot_dimension_numbers<[1], [0], [0], [1], [0, 0, 1, 1], [], []>, transpose_lhs_hint = false} : vector<2000x128xf32>, vector<128x512xf32>, vector<2000x512xf32> -> vector<2000x512xf32>
    %add3A_21 = arith.addf %dot_general3A_12, %dot_general3A_20 : vector<2000x512xf32>
    %get3A_22 = arith.constant 0 : index
    %get3A_23 = arith.constant 0 : index
    %get3A_24 = vector.load %arg7[%get3A_22, %get3A_23] : memref<1x512xf32, #tpu.memory_space<vmem>>, vector<1x512xf32>
    %add3A_25 = vector.broadcast %get3A_24 : vector<1x512xf32> to vector<2000x512xf32>
    %add3A_26 = arith.addf %add3A_21, %add3A_25 : vector<2000x512xf32>
    %slice3A = vector.extract_strided_slice %add3A_26 {offsets = [0, 0], sizes = [2000, 128], strides = [1, 1]} : vector<2000x512xf32> to vector<2000x128xf32>
    %logistic3A = arith.negf %slice3A : vector<2000x128xf32>
    %logistic3A_27 = math.exp %logistic3A : vector<2000x128xf32>
    %logistic3A_28 = arith.constant 1.000000e+00 : f32
    %logistic3A_29 = vector.broadcast %logistic3A_28 : f32 to vector<2000x128xf32>
    %logistic3A_30 = arith.addf %logistic3A_29, %logistic3A_27 : vector<2000x128xf32>
    %logistic3A_31 = arith.divf %logistic3A_29, %logistic3A_30 : vector<2000x128xf32>
    %slice3A_32 = vector.extract_strided_slice %add3A_26 {offsets = [0, 128], sizes = [2000, 128], strides = [1, 1]} : vector<2000x512xf32> to vector<2000x128xf32>
    %logistic3A_33 = arith.negf %slice3A_32 : vector<2000x128xf32>
    %logistic3A_34 = math.exp %logistic3A_33 : vector<2000x128xf32>
    %logistic3A_35 = arith.constant 1.000000e+00 : f32
    %logistic3A_36 = vector.broadcast %logistic3A_35 : f32 to vector<2000x128xf32>
    %logistic3A_37 = arith.addf %logistic3A_36, %logistic3A_34 : vector<2000x128xf32>
    %logistic3A_38 = arith.divf %logistic3A_36, %logistic3A_37 : vector<2000x128xf32>
    %slice3A_39 = vector.extract_strided_slice %add3A_26 {offsets = [0, 256], sizes = [2000, 128], strides = [1, 1]} : vector<2000x512xf32> to vector<2000x128xf32>
    %tanh3A = math.tanh %slice3A_39 : vector<2000x128xf32>
    %slice3A_40 = vector.extract_strided_slice %add3A_26 {offsets = [0, 384], sizes = [2000, 128], strides = [1, 1]} : vector<2000x512xf32> to vector<2000x128xf32>
    %logistic3A_41 = arith.negf %slice3A_40 : vector<2000x128xf32>
    %logistic3A_42 = math.exp %logistic3A_41 : vector<2000x128xf32>
    %logistic3A_43 = arith.constant 1.000000e+00 : f32
    %logistic3A_44 = vector.broadcast %logistic3A_43 : f32 to vector<2000x128xf32>
    %logistic3A_45 = arith.addf %logistic3A_44, %logistic3A_42 : vector<2000x128xf32>
    %logistic3A_46 = arith.divf %logistic3A_44, %logistic3A_45 : vector<2000x128xf32>
    %get3A_47 = arith.constant 0 : index
    %get3A_48 = arith.constant 0 : index
    %get3A_49 = vector.load %arg4[%get3A_47, %get3A_48] : memref<2000x128xf32, #tpu.memory_space<vmem>>, vector<2000x128xf32>
    %mul3A = arith.mulf %logistic3A_38, %get3A_49 : vector<2000x128xf32>
    %mul3A_50 = arith.mulf %logistic3A_31, %tanh3A : vector<2000x128xf32>
    %add3A_51 = arith.addf %mul3A, %mul3A_50 : vector<2000x128xf32>
    %tanh3A_52 = math.tanh %add3A_51 : vector<2000x128xf32>
    %mul3A_53 = arith.mulf %logistic3A_46, %tanh3A_52 : vector<2000x128xf32>
    %swap3A = arith.constant 0 : index
    %swap3A_54 = arith.constant 0 : index
    %swap3A_55 = vector.load %arg8[%swap3A, %swap3A_54] : memref<2000x128xf32, #tpu.memory_space<vmem>>, vector<2000x128xf32>
    tpu.vector_store %arg8[%swap3A, %swap3A_54], %mul3A_53 {strides = array<i32>} : memref<2000x128xf32, #tpu.memory_space<vmem>>, vector<2000x128xf32>,
    %swap3A_56 = arith.constant 0 : index
    %swap3A_57 = arith.constant 0 : index
    %swap3A_58 = vector.load %arg9[%swap3A_56, %swap3A_57] : memref<2000x128xf32, #tpu.memory_space<vmem>>, vector<2000x128xf32>
    tpu.vector_store %arg9[%swap3A_56, %swap3A_57], %add3A_51 {strides = array<i32>} : memref<2000x128xf32, #tpu.memory_space<vmem>>, vector<2000x128xf32>,
    return
  }
  func.func @transform_0(%arg0: i32) -> (i32, i32, i32) {
    %c0_i32 = arith.constant 0 : i32
    %c0_i32_0 = arith.constant 0 : i32
    %c0_i32_1 = arith.constant 0 : i32
    return %c0_i32, %arg0, %c0_i32_0 : i32, i32, i32
  }
  func.func @transform_1(%arg0: i32) -> (i32, i32, i32) {
    %c1_i32 = arith.constant 1 : i32
    %c0_i32 = arith.constant 0 : i32
    %c0_i32_0 = arith.constant 0 : i32
    return %c1_i32, %arg0, %c0_i32 : i32, i32, i32
  }
  func.func @transform_2(%arg0: i32) -> (i32, i32) {
    %c0_i32 = arith.constant 0 : i32
    %c0_i32_0 = arith.constant 0 : i32
    return %arg0, %c0_i32 : i32, i32
  }
  func.func @transform_3(%arg0: i32) -> (i32, i32) {
    %c0_i32 = arith.constant 0 : i32
    %c0_i32_0 = arith.constant 0 : i32
    return %arg0, %c0_i32 : i32, i32
  }
  func.func @transform_4(%arg0: i32) -> (i32, i32) {
    %c0_i32 = arith.constant 0 : i32
    %c0_i32_0 = arith.constant 0 : i32
    %c0_i32_1 = arith.constant 0 : i32
    return %c0_i32, %c0_i32_0 : i32, i32
  }
  func.func @transform_5(%arg0: i32) -> (i32, i32) {
    %c0_i32 = arith.constant 0 : i32
    %c0_i32_0 = arith.constant 0 : i32
    %c0_i32_1 = arith.constant 0 : i32
    return %c0_i32, %c0_i32_0 : i32, i32
  }
  func.func @transform_6(%arg0: i32) -> (i32, i32) {
    %c0_i32 = arith.constant 0 : i32
    %c0_i32_0 = arith.constant 0 : i32
    %c0_i32_1 = arith.constant 0 : i32
    return %c0_i32, %c0_i32_0 : i32, i32
  }
  func.func @transform_7(%arg0: i32) -> (i32, i32) {
    %c0_i32 = arith.constant 0 : i32
    %c0_i32_0 = arith.constant 0 : i32
    return %arg0, %c0_i32 : i32, i32
  }
  func.func @transform_8(%arg0: i32) -> (i32, i32) {
    %c0_i32 = arith.constant 0 : i32
    %c0_i32_0 = arith.constant 0 : i32
    return %arg0, %c0_i32 : i32, i32
  }
}

module attributes {stable_mosaic.version = 14 : i64} {
  func.func @_lit_lstm_body(%arg0: i32, %arg1: memref<4096x128xf32, #tpu.memory_space<vmem>>, %arg2: memref<4096x128xf32, #tpu.memory_space<vmem>>, %arg3: memref<4096x128xf32, #tpu.memory_space<vmem>>, %arg4: memref<4096x128xf32, #tpu.memory_space<vmem>>, %arg5: memref<128x512xf32, #tpu.memory_space<vmem>>, %arg6: memref<128x512xf32, #tpu.memory_space<vmem>>, %arg7: memref<128x512xf32, #tpu.memory_space<vmem>>, %arg8: memref<1x512xf32, #tpu.memory_space<vmem>>, %arg9: memref<4096x128xf32, #tpu.memory_space<vmem>>, %arg10: memref<4096x128xf32, #tpu.memory_space<vmem>>) attributes {dimension_semantics = [#tpu.dimension_semantics<arbitrary>], iteration_bounds = array<i64: 10>, scalar_prefetch = 0 : i64, scratch_operands = 0 : i64, tpu.core_type = #tpu.core_type<tc>, window_params = [{transform_indices = @transform_0, window_bounds = array<i64: 4096, 128>}, {transform_indices = @transform_1, window_bounds = array<i64: 4096, 128>}, {transform_indices = @transform_2, window_bounds = array<i64: 4096, 128>}, {transform_indices = @transform_3, window_bounds = array<i64: 4096, 128>}, {pipeline_mode = #tpu.pipeline_mode<synchronous>, transform_indices = @transform_4, window_bounds = array<i64: 128, 512>}, {pipeline_mode = #tpu.pipeline_mode<synchronous>, transform_indices = @transform_5, window_bounds = array<i64: 128, 512>}, {pipeline_mode = #tpu.pipeline_mode<synchronous>, transform_indices = @transform_6, window_bounds = array<i64: 128, 512>}, {pipeline_mode = #tpu.pipeline_mode<synchronous>, transform_indices = @transform_7, window_bounds = array<i64: 1, 512>}, {transform_indices = @transform_8, window_bounds = array<i64: 4096, 128>}, {transform_indices = @transform_9, window_bounds = array<i64: 4096, 128>}]} {
    %get3A = arith.constant 0 : index
    %get3A_0 = arith.constant 0 : index
    %get3A_1 = vector.load %arg1[%get3A, %get3A_0] : memref<4096x128xf32, #tpu.memory_space<vmem>>, vector<4096x128xf32>
    %get3A_2 = arith.constant 0 : index
    %get3A_3 = arith.constant 0 : index
    %get3A_4 = vector.load %arg5[%get3A_2, %get3A_3] : memref<128x512xf32, #tpu.memory_space<vmem>>, vector<128x512xf32>
    %dot_general3A = arith.constant dense<0.000000e+00> : vector<4096x512xf32>
    %dot_general3A_5 = tpu.matmul %get3A_1, %get3A_4, %dot_general3A {dimension_numbers = #tpu.dot_dimension_numbers<[1], [0], [0], [1], [0, 0, 1, 1], [], []>, transpose_lhs_hint = false} : vector<4096x128xf32>, vector<128x512xf32>, vector<4096x512xf32> -> vector<4096x512xf32>
    %get3A_6 = arith.constant 0 : index
    %get3A_7 = arith.constant 0 : index
    %get3A_8 = vector.load %arg2[%get3A_6, %get3A_7] : memref<4096x128xf32, #tpu.memory_space<vmem>>, vector<4096x128xf32>
    %get3A_9 = arith.constant 0 : index
    %get3A_10 = arith.constant 0 : index
    %get3A_11 = vector.load %arg6[%get3A_9, %get3A_10] : memref<128x512xf32, #tpu.memory_space<vmem>>, vector<128x512xf32>
    %dot_general3A_12 = arith.constant dense<0.000000e+00> : vector<4096x512xf32>
    %dot_general3A_13 = tpu.matmul %get3A_8, %get3A_11, %dot_general3A_12 {dimension_numbers = #tpu.dot_dimension_numbers<[1], [0], [0], [1], [0, 0, 1, 1], [], []>, transpose_lhs_hint = false} : vector<4096x128xf32>, vector<128x512xf32>, vector<4096x512xf32> -> vector<4096x512xf32>
    %add3A = arith.addf %dot_general3A_5, %dot_general3A_13 : vector<4096x512xf32>
    %get3A_14 = arith.constant 0 : index
    %get3A_15 = arith.constant 0 : index
    %get3A_16 = vector.load %arg3[%get3A_14, %get3A_15] : memref<4096x128xf32, #tpu.memory_space<vmem>>, vector<4096x128xf32>
    %get3A_17 = arith.constant 0 : index
    %get3A_18 = arith.constant 0 : index
    %get3A_19 = vector.load %arg7[%get3A_17, %get3A_18] : memref<128x512xf32, #tpu.memory_space<vmem>>, vector<128x512xf32>
    %dot_general3A_20 = arith.constant dense<0.000000e+00> : vector<4096x512xf32>
    %dot_general3A_21 = tpu.matmul %get3A_16, %get3A_19, %dot_general3A_20 {dimension_numbers = #tpu.dot_dimension_numbers<[1], [0], [0], [1], [0, 0, 1, 1], [], []>, transpose_lhs_hint = false} : vector<4096x128xf32>, vector<128x512xf32>, vector<4096x512xf32> -> vector<4096x512xf32>
    %add3A_22 = arith.addf %add3A, %dot_general3A_21 : vector<4096x512xf32>
    %get3A_23 = arith.constant 0 : index
    %get3A_24 = arith.constant 0 : index
    %get3A_25 = vector.load %arg8[%get3A_23, %get3A_24] : memref<1x512xf32, #tpu.memory_space<vmem>>, vector<1x512xf32>
    %add3A_26 = vector.broadcast %get3A_25 : vector<1x512xf32> to vector<4096x512xf32>
    %add3A_27 = arith.addf %add3A_22, %add3A_26 : vector<4096x512xf32>
    %slice3A = vector.extract_strided_slice %add3A_27 {offsets = [0, 0], sizes = [4096, 128], strides = [1, 1]} : vector<4096x512xf32> to vector<4096x128xf32>
    %logistic3A = arith.negf %slice3A : vector<4096x128xf32>
    %logistic3A_28 = math.exp %logistic3A : vector<4096x128xf32>
    %logistic3A_29 = arith.constant 1.000000e+00 : f32
    %logistic3A_30 = vector.broadcast %logistic3A_29 : f32 to vector<4096x128xf32>
    %logistic3A_31 = arith.addf %logistic3A_30, %logistic3A_28 : vector<4096x128xf32>
    %logistic3A_32 = arith.divf %logistic3A_30, %logistic3A_31 : vector<4096x128xf32>
    %slice3A_33 = vector.extract_strided_slice %add3A_27 {offsets = [0, 128], sizes = [4096, 128], strides = [1, 1]} : vector<4096x512xf32> to vector<4096x128xf32>
    %logistic3A_34 = arith.negf %slice3A_33 : vector<4096x128xf32>
    %logistic3A_35 = math.exp %logistic3A_34 : vector<4096x128xf32>
    %logistic3A_36 = arith.constant 1.000000e+00 : f32
    %logistic3A_37 = vector.broadcast %logistic3A_36 : f32 to vector<4096x128xf32>
    %logistic3A_38 = arith.addf %logistic3A_37, %logistic3A_35 : vector<4096x128xf32>
    %logistic3A_39 = arith.divf %logistic3A_37, %logistic3A_38 : vector<4096x128xf32>
    %slice3A_40 = vector.extract_strided_slice %add3A_27 {offsets = [0, 256], sizes = [4096, 128], strides = [1, 1]} : vector<4096x512xf32> to vector<4096x128xf32>
    %tanh3A = math.tanh %slice3A_40 : vector<4096x128xf32>
    %slice3A_41 = vector.extract_strided_slice %add3A_27 {offsets = [0, 384], sizes = [4096, 128], strides = [1, 1]} : vector<4096x512xf32> to vector<4096x128xf32>
    %logistic3A_42 = arith.negf %slice3A_41 : vector<4096x128xf32>
    %logistic3A_43 = math.exp %logistic3A_42 : vector<4096x128xf32>
    %logistic3A_44 = arith.constant 1.000000e+00 : f32
    %logistic3A_45 = vector.broadcast %logistic3A_44 : f32 to vector<4096x128xf32>
    %logistic3A_46 = arith.addf %logistic3A_45, %logistic3A_43 : vector<4096x128xf32>
    %logistic3A_47 = arith.divf %logistic3A_45, %logistic3A_46 : vector<4096x128xf32>
    %get3A_48 = arith.constant 0 : index
    %get3A_49 = arith.constant 0 : index
    %get3A_50 = vector.load %arg4[%get3A_48, %get3A_49] : memref<4096x128xf32, #tpu.memory_space<vmem>>, vector<4096x128xf32>
    %mul3A = arith.mulf %logistic3A_39, %get3A_50 : vector<4096x128xf32>
    %mul3A_51 = arith.mulf %logistic3A_32, %tanh3A : vector<4096x128xf32>
    %add3A_52 = arith.addf %mul3A, %mul3A_51 : vector<4096x128xf32>
    %tanh3A_53 = math.tanh %add3A_52 : vector<4096x128xf32>
    %mul3A_54 = arith.mulf %logistic3A_47, %tanh3A_53 : vector<4096x128xf32>
    %swap3A = arith.constant 0 : index
    %swap3A_55 = arith.constant 0 : index
    %swap3A_56 = vector.load %arg9[%swap3A, %swap3A_55] : memref<4096x128xf32, #tpu.memory_space<vmem>>, vector<4096x128xf32>
    tpu.vector_store %arg9[%swap3A, %swap3A_55], %mul3A_54 {strides = array<i32>} : memref<4096x128xf32, #tpu.memory_space<vmem>>, vector<4096x128xf32>,
    %swap3A_57 = arith.constant 0 : index
    %swap3A_58 = arith.constant 0 : index
    %swap3A_59 = vector.load %arg10[%swap3A_57, %swap3A_58] : memref<4096x128xf32, #tpu.memory_space<vmem>>, vector<4096x128xf32>
    tpu.vector_store %arg10[%swap3A_57, %swap3A_58], %add3A_52 {strides = array<i32>} : memref<4096x128xf32, #tpu.memory_space<vmem>>, vector<4096x128xf32>,
    return
  }
  func.func @transform_0(%arg0: i32) -> (i32, i32) {
    %c0_i32 = arith.constant 0 : i32
    %c0_i32_0 = arith.constant 0 : i32
    return %arg0, %c0_i32 : i32, i32
  }
  func.func @transform_1(%arg0: i32) -> (i32, i32) {
    %add3A = arith.constant 5 : i32
    %add3A_0 = arith.addi %arg0, %add3A : i32
    %jit3A = arith.constant 10 : i32
    %eq3A = arith.constant 0 : i32
    %eq3A_1 = arith.cmpi eq, %jit3A, %eq3A : i32
    %jit3A_2 = arith.constant 1 : i32
    %select_n3A = arith.select %eq3A_1, %jit3A_2, %jit3A : i32
    %rem3A = arith.remsi %add3A_0, %select_n3A : i32
    %ne3A = arith.constant 0 : i32
    %ne3A_3 = arith.cmpi ne, %rem3A, %ne3A : i32
    %lt3A = arith.constant 0 : i32
    %lt3A_4 = arith.cmpi slt, %rem3A, %lt3A : i32
    %lt3A_5 = arith.constant 0 : i32
    %lt3A_6 = arith.cmpi slt, %select_n3A, %lt3A_5 : i32
    %ne3A_7 = arith.xori %lt3A_4, %lt3A_6 : i1
    %and3A = arith.andi %ne3A_7, %ne3A_3 : i1
    %add3A_8 = arith.addi %rem3A, %select_n3A : i32
    %select_n3A_9 = arith.select %and3A, %add3A_8, %rem3A : i32
    %c0_i32 = arith.constant 0 : i32
    %c0_i32_10 = arith.constant 0 : i32
    return %select_n3A_9, %c0_i32 : i32, i32
  }
  func.func @transform_2(%arg0: i32) -> (i32, i32) {
    %c0_i32 = arith.constant 0 : i32
    %c0_i32_0 = arith.constant 0 : i32
    return %arg0, %c0_i32 : i32, i32
  }
  func.func @transform_3(%arg0: i32) -> (i32, i32) {
    %c0_i32 = arith.constant 0 : i32
    %c0_i32_0 = arith.constant 0 : i32
    return %arg0, %c0_i32 : i32, i32
  }
  func.func @transform_4(%arg0: i32) -> (i32, i32) {
    %c0_i32 = arith.constant 0 : i32
    %c0_i32_0 = arith.constant 0 : i32
    %c0_i32_1 = arith.constant 0 : i32
    return %c0_i32, %c0_i32_0 : i32, i32
  }
  func.func @transform_5(%arg0: i32) -> (i32, i32) {
    %c0_i32 = arith.constant 0 : i32
    %c0_i32_0 = arith.constant 0 : i32
    %c0_i32_1 = arith.constant 0 : i32
    return %c0_i32, %c0_i32_0 : i32, i32
  }
  func.func @transform_6(%arg0: i32) -> (i32, i32) {
    %c0_i32 = arith.constant 0 : i32
    %c0_i32_0 = arith.constant 0 : i32
    %c0_i32_1 = arith.constant 0 : i32
    return %c0_i32, %c0_i32_0 : i32, i32
  }
  func.func @transform_7(%arg0: i32) -> (i32, i32) {
    %c0_i32 = arith.constant 0 : i32
    %c0_i32_0 = arith.constant 0 : i32
    %c0_i32_1 = arith.constant 0 : i32
    return %c0_i32, %c0_i32_0 : i32, i32
  }
  func.func @transform_8(%arg0: i32) -> (i32, i32) {
    %c0_i32 = arith.constant 0 : i32
    %c0_i32_0 = arith.constant 0 : i32
    return %arg0, %c0_i32 : i32, i32
  }
  func.func @transform_9(%arg0: i32) -> (i32, i32) {
    %c0_i32 = arith.constant 0 : i32
    %c0_i32_0 = arith.constant 0 : i32
    return %arg0, %c0_i32 : i32, i32
  }
}

module attributes {stable_mosaic.version = 14 : i64} {
  func.func @_vote_body(%arg0: i32, %arg1: memref<2048x128xf32, #tpu.memory_space<vmem>>, %arg2: memref<2048x128xf32, #tpu.memory_space<vmem>>, %arg3: memref<1x128xf32, #tpu.memory_space<vmem>>, %arg4: memref<8x128xf32, #tpu.memory_space<vmem>>) attributes {dimension_semantics = [#tpu.dimension_semantics<arbitrary>], iteration_bounds = array<i64: 10>, scalar_prefetch = 0 : i64, scratch_operands = 0 : i64, tpu.core_type = #tpu.core_type<tc>, window_params = [{transform_indices = @transform_0, window_bounds = array<i64: 2048, 128>}, {transform_indices = @transform_1, window_bounds = array<i64: 2048, 128>}, {pipeline_mode = #tpu.pipeline_mode<synchronous>, transform_indices = @transform_2, window_bounds = array<i64: 1, 128>}, {transform_indices = @transform_3, window_bounds = array<i64: 8, 128>}]} {
    %get3A = arith.constant 0 : index
    %get3A_0 = arith.constant 0 : index
    %get3A_1 = vector.load %arg3[%get3A, %get3A_0] : memref<1x128xf32, #tpu.memory_space<vmem>>, vector<1x128xf32>
    %get3A_2 = vector.shape_cast %get3A_1 : vector<1x128xf32> to vector<128xf32>
    %iota3A = tpu.iota {dimensions = array<i32: 1>} : vector<8x256x128xi32>
    %lt3A = arith.constant 250 : i32
    %lt3A_3 = vector.broadcast %lt3A : i32 to vector<8x256x128xi32>
    %lt3A_4 = arith.cmpi slt, %iota3A, %lt3A_3 : vector<8x256x128xi32>
    %get3A_5 = arith.constant 0 : index
    %get3A_6 = arith.constant 0 : index
    %get3A_7 = vector.load %arg1[%get3A_5, %get3A_6] : memref<2048x128xf32, #tpu.memory_space<vmem>>, vector<2048x128xf32>
    %broadcast_in_dim3A = vector.shape_cast %get3A_2 : vector<128xf32> to vector<1x128xf32>
    %mul3A = vector.broadcast %broadcast_in_dim3A : vector<1x128xf32> to vector<2048x128xf32>
    %mul3A_8 = arith.mulf %get3A_7, %mul3A : vector<2048x128xf32>
    %reshape3A = vector.shape_cast %mul3A_8 : vector<2048x128xf32> to vector<8x256x128xf32>
    %jit3A = arith.constant 0.000000e+00 : f32
    %broadcast_in_dim3A_9 = vector.broadcast %jit3A : f32 to vector<8x256x128xf32>
    %select_n3A = arith.select %lt3A_4, %reshape3A, %broadcast_in_dim3A_9 : vector<8x256x128xi1>, vector<8x256x128xf32>
    %reduce_sum3A = arith.constant dense<0.000000e+00> : vector<8xf32>
    %reduce_sum3A_10 = vector.multi_reduction <add>, %select_n3A, %reduce_sum3A [1, 2] : vector<8x256x128xf32> to vector<8xf32>
    %get3A_11 = arith.constant 0 : index
    %get3A_12 = arith.constant 0 : index
    %get3A_13 = vector.load %arg2[%get3A_11, %get3A_12] : memref<2048x128xf32, #tpu.memory_space<vmem>>, vector<2048x128xf32>
    %broadcast_in_dim3A_14 = vector.shape_cast %get3A_2 : vector<128xf32> to vector<1x128xf32>
    %mul3A_15 = vector.broadcast %broadcast_in_dim3A_14 : vector<1x128xf32> to vector<2048x128xf32>
    %mul3A_16 = arith.mulf %get3A_13, %mul3A_15 : vector<2048x128xf32>
    %reshape3A_17 = vector.shape_cast %mul3A_16 : vector<2048x128xf32> to vector<8x256x128xf32>
    %jit3A_18 = arith.constant 0.000000e+00 : f32
    %broadcast_in_dim3A_19 = vector.broadcast %jit3A_18 : f32 to vector<8x256x128xf32>
    %select_n3A_20 = arith.select %lt3A_4, %reshape3A_17, %broadcast_in_dim3A_19 : vector<8x256x128xi1>, vector<8x256x128xf32>
    %reduce_sum3A_21 = arith.constant dense<0.000000e+00> : vector<8xf32>
    %reduce_sum3A_22 = vector.multi_reduction <add>, %select_n3A_20, %reduce_sum3A_21 [1, 2] : vector<8x256x128xf32> to vector<8xf32>
    %add3A = arith.addf %reduce_sum3A_10, %reduce_sum3A_22 : vector<8xf32>
    %mul3A_23 = arith.constant 2.000000e-03 : f32
    %mul3A_24 = vector.broadcast %mul3A_23 : f32 to vector<8xf32>
    %mul3A_25 = arith.mulf %add3A, %mul3A_24 : vector<8xf32>
    %broadcast_in_dim3A_26 = vector.shape_cast %mul3A_25 : vector<8xf32> to vector<8x1xf32>
    %broadcast_in_dim3A_27 = vector.shape_cast %broadcast_in_dim3A_26 : vector<8x1xf32> to vector<8x1xf32>
    %broadcast_in_dim3A_28 = vector.broadcast %broadcast_in_dim3A_27 : vector<8x1xf32> to vector<8x128xf32>
    %swap3A = arith.constant 0 : index
    %swap3A_29 = arith.constant 0 : index
    %swap3A_30 = vector.load %arg4[%swap3A, %swap3A_29] : memref<8x128xf32, #tpu.memory_space<vmem>>, vector<8x128xf32>
    tpu.vector_store %arg4[%swap3A, %swap3A_29], %broadcast_in_dim3A_28 {strides = array<i32>} : memref<8x128xf32, #tpu.memory_space<vmem>>, vector<8x128xf32>,
    return
  }
  func.func @transform_0(%arg0: i32) -> (i32, i32) {
    %c0_i32 = arith.constant 0 : i32
    %c0_i32_0 = arith.constant 0 : i32
    return %arg0, %c0_i32 : i32, i32
  }
  func.func @transform_1(%arg0: i32) -> (i32, i32) {
    %add3A = arith.constant 10 : i32
    %add3A_0 = arith.addi %add3A, %arg0 : i32
    %c0_i32 = arith.constant 0 : i32
    %c0_i32_1 = arith.constant 0 : i32
    return %add3A_0, %c0_i32 : i32, i32
  }
  func.func @transform_2(%arg0: i32) -> (i32, i32) {
    %c0_i32 = arith.constant 0 : i32
    %c0_i32_0 = arith.constant 0 : i32
    %c0_i32_1 = arith.constant 0 : i32
    return %c0_i32, %c0_i32_0 : i32, i32
  }
  func.func @transform_3(%arg0: i32) -> (i32, i32) {
    %c0_i32 = arith.constant 0 : i32
    %c0_i32_0 = arith.constant 0 : i32
    return %arg0, %c0_i32 : i32, i32
  }
}

</mosaic_0001>

<sc_bundles>
// kernel: body.14.cloned.1.call-start
scs
__scs_entry_jumppad:
0x0: {  	(pc) =	sbr.rel $0x88, $3  }
0x1: {  	(tag) =	ssettag $0x0;
	lr =	simm.s32 $0x1  }
0x2: {  	[smem:$0x3F91] =	sst lr;
	_ =	strace $0xD0000000  }
0x3: {  	_ = 	snop  }
0x4: {  	_ = 	snop  }
0x5: {  	_ = 	snop  }
0x6: {  	_ = 	snop  }
0x7: {  	_ = 	snop  }
__scs_overlays_trampoline_lowered:
0x8: {  	[smem:$0x3FA0] =	sst s0  }
0x9: {  	[smem:$0x3FA1] =	sst s1  }
0xa: {  	[smem:$0x3FA2] =	sst s2  }
0xb: {  	[smem:$0x3FA3] =	sst s3  }
0xc: {  	[smem:$0x3FA4] =	sst s4  }
0xd: {  	[smem:$0x3FA5] =	sst s5  }
0xe: {  	[smem:$0x3FA6] =	sst s6  }
0xf: {  	[smem:$0x3FA7] =	sst s7  }
0x10: {  	[smem:$0x3FA8] =	sst s8  }
0x11: {  	[smem:$0x3FA9] =	sst s9;
	s0 =	simm.s32 @!p0 $0x0  }
0x12: {  	s1 =	sld [smem:$0x3F8F];
	s0 =	simm.s32 @p0 $0x1  }
0x13: {  	[smem:$0x3FAA] =	sst s0;
	s0 =	simm.s32 @!p1 $0x0  }
0x14: {  	s2 =	sld [smem:$0x3F8E];
	s0 =	simm.s32 @p1 $0x1  }
0x15: {  	[smem:$0x3FAB] =	sst s0;
	s0 =	simm.s32 @!p2 $0x0  }
0x16: {  	s3 =	sld [smem:$0x3FDB];
	s0 =	simm.s32 @p2 $0x1  }
0x17: {  	s4 =	simm.s32 $0x1BF5;
	[smem:$0x3FAD] =	sst s0  }
0x18: {  	s0 =	sld [smem:$0x3F90];
	_ =	swait.ge [sflag:s4], $0x0  }
0x19: {  	s7 =	sld [smem:$0x3F91]  }
0x1a: {  	s8 =	sadd.s32 $0xFFFFE003, lr  }
0x1b: {  	s9 =	sadd.s32 $0xFFFFFEF7, lr;
	s5 =	simm.s32 $0xFFFFFFFF;
	p2 =	slt.u32 s8, $0xFFFFF086  }
0x1c: {  	p1 =	slt.u32 s9, $0xF7A;
	s5 =	simm.s32 @!p2 $0x0  }
0x1d: {  	s5 =	simm.s32 @p1 $0x1;
	p0 =	seq.s32 s7, s2  }
0x1e: {  	s7 =	smul.u32 @!p0 $0xF7A, s2;
	p2 =	seq.s32 @!p0 s5, $0x0  }
0x1f: {  	s9 =	smul.u32 $0xF7A, s1;
	s8 =	simm.s32 @!p0 $0x1BF5;
	p2 =	por !p2, p0  }
0x20: {  	[sflag:s8] =	ssyncset.s32 @!p0 $0xFFFFF086;
	s6 =	sadd.s32 @!p0 s3, s7;
	s7 =	simm.s32 @!p0 $0x108  }
0x21: {  	s3 =	sadd.s32 s3, s9;
	s6 =	sadd.s32 @!p0 $0x88, s6;
	s7 =	simm.s32 @p2 $0x1082  }
0x22: {  	[simem:s7], [sflag:s8] =	dma.local @!p0 [hbm:s6], $0xF7A  }
0x23: {  	s9 =	sor.u32 $0xD0000000, s2;
	s6 =	simm.s32 $0x108;
	_ =	swait.ge @!p0 [sflag:s8], $0x0  }
0x24: {  	s3 =	sadd.s32 $0x88, s3;
	s6 =	simm.s32 @!p1 $0x1082;
	[sflag:s4] =	ssyncset.s32 $0xFFFFF086  }
0x25: {  	[simem:s6], [sflag:s4] =	dma.local [hbm:s3], $0xF7A  }
0x26: {  	[smem:$0x3F91] =	sst s1;
	(tag) =	ssettag s2;
	_ =	strace s9  }
0x27: {  	s1 =	sld [smem:$0x3FA1]  }
0x28: {  	s2 =	sld [smem:$0x3FA2]  }
0x29: {  	s4 =	sld [smem:$0x3FA4]  }
0x2a: {  	p0 =	seq.s32 s5, $0x0;
	s5 =	sld [smem:$0x3FA5]  }
0x2b: {  	s6 =	sld [smem:$0x3FA6]  }
0x2c: {  	s7 =	sld [smem:$0x3FA7]  }
0x2d: {  	s3 =	simm.s32 $0x108;
	s8 =	sld [smem:$0x3FA8]  }
0x2e: {  	s3 =	simm.s32 @!p0 $0x1082;
	s9 =	sld [smem:$0x3FA9]  }
0x2f: {  	lr =	sadd.s32 s0, s3;
	s0 =	sld [smem:$0x3FA0]  }
0x30: {  	s3 =	sld [smem:$0x3FA3]  }
0x31: {  	[smem:$0x3FAC] =	sst s10  }
0x32: {  	s10 =	sld [smem:$0x3FAA];
	_ =	sdelay $0x3  }
0x33: {  	p0 =	seq.s32 s10, $0x1;
	s10 =	sld [smem:$0x3FAC];
	_ =	sdelay $0x3  }
0x34: {  	[smem:$0x3FAC] =	sst s10  }
0x35: {  	s10 =	sld [smem:$0x3FAB];
	_ =	sdelay $0x3  }
0x36: {  	p1 =	seq.s32 s10, $0x1;
	s10 =	sld [smem:$0x3FAC];
	_ =	sdelay $0x3  }
0x37: {  	[smem:$0x3FAC] =	sst s10  }
0x38: {  	s10 =	sld [smem:$0x3FAD]  }
0x39: {  	_ = 	snop;
	(pc) =	sbr.ind lr, $3  }
0x3a: {  	_ = 	snop  }
0x3b: {  	_ = 	snop  }
0x3c: {  	p2 =	seq.s32 s10, $0x1;
	s10 =	sld [smem:$0x3FAC]  }
0x3d: {  	_ =	shalt  }
0x3e: {  	_ =	shalt  }
0x3f: {  	_ =	shalt  }
0x40: {  	_ =	shalt  }
0x41: {  	_ =	shalt  }
0x42: {  	_ =	shalt  }
0x43: {  	_ =	shalt  }
0x44: {  	_ =	shalt  }
0x45: {  	_ =	shalt  }
0x46: {  	_ =	shalt  }
0x47: {  	_ =	shalt  }
0x48: {  	_ =	shalt  }
0x49: {  	_ =	shalt  }
0x4a: {  	_ =	shalt  }
0x4b: {  	_ =	shalt  }
0x4c: {  	_ =	shalt  }
0x4d: {  	_ =	shalt  }
0x4e: {  	_ =	shalt  }
0x4f: {  	_ =	shalt  }
0x50: {  	_ =	shalt  }
0x51: {  	_ =	shalt  }
0x52: {  	_ =	shalt  }
0x53: {  	_ =	shalt  }
0x54: {  	_ =	shalt  }
0x55: {  	_ =	shalt  }
0x56: {  	_ =	shalt  }
0x57: {  	_ =	shalt  }
0x58: {  	_ =	shalt  }
0x59: {  	_ =	shalt  }
0x5a: {  	_ =	shalt  }
0x5b: {  	_ =	shalt  }
0x5c: {  	_ =	shalt  }
0x5d: {  	_ =	shalt  }
0x5e: {  	_ =	shalt  }
0x5f: {  	_ =	shalt  }
0x60: {  	_ =	shalt  }
0x61: {  	_ =	shalt  }
0x62: {  	_ =	shalt  }
0x63: {  	_ =	shalt  }
0x64: {  	_ =	shalt  }
0x65: {  	_ =	shalt  }
0x66: {  	_ =	shalt  }
0x67: {  	_ =	shalt  }
0x68: {  	_ =	shalt  }
0x69: {  	_ =	shalt  }
0x6a: {  	_ =	shalt  }
0x6b: {  	_ =	shalt  }
0x6c: {  	_ =	shalt  }
0x6d: {  	_ =	shalt  }
0x6e: {  	_ =	shalt  }
0x6f: {  	_ =	shalt  }
0x70: {  	_ =	shalt  }
0x71: {  	_ =	shalt  }
0x72: {  	_ =	shalt  }
0x73: {  	_ =	shalt  }
0x74: {  	_ =	shalt  }
0x75: {  	_ =	shalt  }
0x76: {  	_ =	shalt  }
0x77: {  	_ =	shalt  }
0x78: {  	_ =	shalt  }
0x79: {  	_ =	shalt  }
0x7a: {  	_ =	shalt  }
0x7b: {  	_ =	shalt  }
0x7c: {  	_ =	shalt  }
0x7d: {  	_ =	shalt  }
0x7e: {  	_ =	shalt  }
0x7f: {  	_ =	shalt  }
0x80: {  	_ =	shalt  }
0x81: {  	_ =	shalt  }
0x82: {  	_ =	shalt  }
0x83: {  	_ =	shalt  }
0x84: {  	_ =	shalt  }
0x85: {  	_ =	shalt  }
0x86: {  	_ =	shalt  }
0x87: {  	_ =	shalt  }
.Lfunc_end0:
.L_simem_size_0:
called_computation_lowered:
.L_overlay_start_0:
0x88: {  	s2 =	sld [smem:$0x3FD9]  }
0x89: {  	s3 =	sld [smem:$0x3FFE];
	_ =	sdelay $0x1  }
0x8a: {  	s1 =	srdreg.scid  }
0x8b: {  	s0 =	sand.u32 $0x1, s1  }
0x8c: {  	s16 =	sshll.u32 s0, $0xA;
	s2 =	sadd.s32 s3, s2  }
0x8d: {  	s2 =	sadd.s32 s2, s16  }
0x8e: {  	[smem:$0x3FB8] =	sst s2  }
0x8f: {  	_ = 	snop  }
0x90: {  	(tm) =	ssettm $0x1  }
0x91: {  	s17 =	sld [smem:$0x3FFB];
	_ =	sdelay $0x3  }
0x92: {  	_ =	strace s17  }
0x93: {  	s2 =	sld [smem:$0x3FFC];
	_ =	sdelay $0x3  }
0x94: {  	_ =	strace s2  }
0x95: {  	s2 =	sld [smem:$0x3FFD];
	_ =	sdelay $0x3  }
0x96: {  	_ =	strace s2  }
0x97: {  	_ =	strace $0x8FFFFFFF  }
0x98: {  	s18 =	sld [smem:$0x3FDB];
	_ =	sdelay $0x1  }
0x99: {  	s19 =	simm.s32 $_scs_section_size  }
0x9a: {  	s4 =	simm.s32 $_size__tile_overlayer_lowered;
	s5 =	simm.s32 $_tile_overlayer_lowered  }
0x9b: {  	s22 =	simm.s32 $0x1BFF;
	s21 =	sshll.u32 s5, $0x1;
	s2 =	sadd.s32 s19, s18  }
0x9c: {  	s6 =	simm.s32 $0x0;
	s20 =	sshll.u32 s4, $0x1;
	s4 =	sadd.s32 s21, s2  }
0x9d: {  	[timem:s6], [sflag:s22] =	dma.local [hbm:s4], s20  }
0x9e: {  	_ =	swait.ge [sflag:s22], s20  }
0x9f: {  	s3 =	ssub.s32 $0x0, s20;
	[sflag:s22] =	ssyncset.done $0x0  }
0xa0: {  	[sflag:s22] =	ssyncadd.s32 s3;
	_ =	sdelay $0x1  }
0xa1: {  	s23 =	simm.s32 $0x1B8B  }
0xa2: {  	_ =	swait.ge [sflag:s23], $0x1  }
0xa3: {  	[sflag:s23] =	ssyncset.done $0x0  }
0xa4: {  	s25 =	simm.s32 $0x1B8E;
	s24 =	sld [smem:$0x3FFE];
	[sflag:s23] =	ssyncadd.s32 $0xFFFFFFFF  }
0xa5: {  	s26 =	simm.s32 $execute0_lowered;
	[smem:$0x3FD2] =	sst s25  }
0xa6: {  	s4 =	sshll.u32 s26, $0x1;
	_ =	strace $0x80000046;
	[dreg:$0x1] =	wrdreg $0xFFFFFFFF  }
0xa7: {  	s28 =	simm.s32 $_size_execute0_lowered;
	s2 =	sadd.s32 s2, s4;
	[dreg:$0x0] =	wrdreg $0x0  }
0xa8: {  	s4 =	sshll.u32 s28, $0x1;
	[dreg:$0x2] =	wrdreg s2  }
0xa9: {  	[dreg:$0x3] =	wrdreg s4  }
0xaa: {  	[dreg:$0x4] =	wrdreg $0xC0  }
0xab: {  	_ =	task [dreg:s6], $0x5FFFF  }
0xac: {  	[dreg:$0x1] =	wrdreg $0xFFFFFFFF  }
0xad: {  	[dreg:$0x0] =	wrdreg $0x60  }
0xae: {  	[dreg:$0x2] =	wrdreg s24  }
0xaf: {  	[dreg:$0x3] =	wrdreg $0x70000  }
0xb0: {  	[dreg:$0x4] =	wrdreg $0x9  }
0xb1: {  	_ =	task.clear_ibuf [dreg:s6], $0x5FFFF;
	_ =	strace $0x90000046  }
0xb2: {  	s29 =	simm.s32 $0x9;
	_ =	strace $0x80000048  }
0xb3: {  	_ =	swait.ge [sflag:s29], $0x1  }
0xb4: {  	[sflag:s29] =	ssyncadd.s32 $0xFFFFFFFF  }
0xb5: {  	_ =	strace $0x90000048  }
0xb6: {  	_ =	sfence  }
0xb7: {  	s30 =	sld [smem:$0x0];
	_ =	sdelay $0x2  }
0xb8: {  	s31 =	sshll.u32 s1, $0xD;
	s1 =	sshrl.u32 s1, $0x2  }
0xb9: {  	s3 =	sand.u32 $0x4000, s31;
	s1 =	sadd.s32 s1, s30  }
0xba: {  	s0 =	sor.u32 s3, s0;
	s1 =	sshll.u32 s1, $0x11  }
0xbb: {  	s0 =	sor.u32 s1, s0  }
0xbc: {  	s0 =	sadd.s32 $0x8F2B, s0  }
0xbd: {  	[sflag:s0] =	ssyncadd.remote.s32 $0x1  }
0xbe: {  	_ =	sfence.sel $0xFFFF  }
0xbf: {  	[dreg:$0x0] =	wrdreg $0xFFFFFFFF;
	(pc) =	sbr.abs _section_cstart, $3  }
0xc0: {  	[dreg:$0x1] =	wrdreg $0xFFFFFFFF  }
0xc1: {  	_ =	task.clear_ibuf [dreg:s6], $0x2FFFF;
	_ =	strace $0x9FFFFFFF  }
0xc2: {  	(tm) =	ssettm $0x7FFFFFFF  }
0xc3: {  	_ =	shalt  }
tec
execute0_lowered:
.L_overlay_start_1:
0x0: {  	(tag) =	ssettag $0x1  }
0x1: {  	s8 =	rddreg [dreg:$0x0]  }
0x2: {  	s1 =	rddreg [dreg:$0x1];
	s3 =	simm.s32 $0x0  }
0x3: {  	s5 =	srdreg.scid;
	s0 =	stileid.u32;
	s14 =	simm.s32 $0x50  }
0x4: {  	s15 =	simm.s32 $0x2000;
	s16 =	simm.s32 $0x80;
	s17 =	simm.s32 $0x4800  }
0x5: {  	s18 =	simm.s32 $0x2;
	s19 =	simm.s32 $0x1B80;
	s20 =	simm.s32 $0x1  }
0x6: {  	s21 =	simm.s32 $0x1C00;
	[smem:$0x7FF] =	sst s3;
	s4 =	sadd.s32 $0x1B6E00, s8  }
0x7: {  	s9 =	sand.u32 $0x1, s5;
	s10 =	smul.u32 $0x2800, s0;
	s5 =	sadd.s32 $0x1A2E00, s8  }
0x8: {  	s6 =	sadd.s32 $0xB6400, s8;
	s7 =	sadd.s32 $0x256E00, s8;
	s13 =	smul.u32 $0x50000, s0  }
0x9: {  	s31 =	sshll.u32 s0, $0x6;
	s11 =	smul.u32 $0x28000, s9;
	s12 =	ssub.s32 $0x2, s9  }
0xa: {  	_ =	strace $0x80000047;
	s29 =	sshll.u32 s9, $0x4;
	s28 =	sshrl.u32 s12, $0x1  }
0xb: {  	s9 =	sor.u32 s0, s29;
	s30 =	sshrl.u32 s13, $0x2;
	s10 =	sadd.s32 s10, s11  }
0xc: {  	s11 =	ssub.s32 s12, s28;
	s13 =	sadd.s32 s30, s1;
	s9 =	smul.u32 $0x5000, s9  }
0xd: {  	s10 =	sadd.s32 s10, s8;
	s8 =	sor.u32 $0x1C03, s31;
	s11 =	smax.u32 s11, $0x1  }
0xe: {  	s12 =	sshrl.u32 s13, $0x3;
	s13 =	simm.s32 $0x3;
	s10 =	sadd.s32 $0x259600, s10  }
.LBB2_1:
0xf: {  	[spmem:s12], [sflag:s8] =	dma.local [hbm:s7], $0x2800  }
0x10: {  	_ =	swait.ge [sflag:s13], $0x2800  }
0x11: {  	[sflag:s13] =	ssyncset.done $0x0  }
0x12: {  	[sflag:s13] =	ssyncadd.s32 $0xFFFFD800  }
0x13: {  	s22 =	simm.s32 $0x0;
	[bflag:$0x0] =	sbarrier.arrive $0xFFFF  }
.LBB2_2:
0x14: {  	s23 =	sshll.u32 s22, $0xC  }
0x15: {  	s23 =	sadd.s32 s9, s23  }
0x16: {  	s23 =	sshrl.u32 s23, $0x3  }
0x17: {  	s25 =	simm.s32 $0x0;
	s24 =	sadd.s32 s5, s23  }
0x18: {  	[tilespmem:s25], [sflag:$0x3] =	stream.linear.gather [hbm4b:s24+s25], $0xC80, $0x38;
	[tilespmem:$0x1B000] =	vst v63  }
0x19: {  	_ =	swait.ge [sflag:s13], $0xC80  }
0x1a: {  	[sflag:s13] =	ssyncset.done $0x0  }
0x1b: {  	s2 =	simm.s32 $0x1000;
	s23 =	sadd.s32 s6, s23;
	[sflag:s13] =	ssyncadd.s32 $0xFFFFF380  }
0x1c: {  	[tilespmem:s2], [sflag:$0x3] =	stream.linear.gather [hbm4b:s23+s25], $0xC80, $0x38;
	[tilespmem:$0x1B000] =	vst v63  }
0x1d: {  	_ =	swait.ge [sflag:s13], $0xC80  }
0x1e: {  	[sflag:s13] =	ssyncset.done $0x0  }
0x1f: {  	[sflag:s13] =	ssyncadd.s32 $0xFFFFF380  }
0x20: {  	[tilespmem:s15], [sflag:$0x1] =	stream.indirect.gather [hbm4b:s4+s14], $0x80, s25, s14, $0xb8;
	[tilespmem:$0x1B000] =	vst v63  }
0x21: {  	s25 =	sand.u32 $0x1, s25  }
0x22: {  	s26 =	smul.u32 $0xA000, s25;
	s25 =	sadd.s32 $0x1, s25  }
0x23: {  	[tilespmem:s17], [sflag:$0x2] =	stream.indirect.gather [hbm4b:s4+s14], $0x80, s16, s14, $0xb8;
	[tilespmem:$0x1B000] =	vst v63  }
0x24: {  	_ =	swait.ge [sflag:s25], $0x2800  }
0x25: {  	s28 =	simm.s32 $0x100;
	s31 =	sshrl.u32 s26, $0x2;
	[sflag:s25] =	ssyncset.done $0x0  }
0x26: {  	s30 =	simm.s32 $0x1;
	s26 =	sadd.s32 $0x2000, s31;
	[sflag:s25] =	ssyncadd.s32 $0xFFFFD800  }
0x27: {  	[spmem:s1] =	stream.indirect.scatter.add.f32 [tilespmem:s26], [sflag:$0x3], $0x80, s2, s14, $0xb8;
	[tilespmem:$0x1B000] =	vst v63  }
0x28: {  	s29 =	simm.s32 $0x2;
	s30 =	sand.u32 $0x1, s30;
	_ =	swait.ge [sflag:s13], $0x2800  }
0x29: {  	s24 =	simm.s32 $0x1080;
	s23 =	simm.s32 $0x180;
	[sflag:s13] =	ssyncset.done $0x0  }
.LBB2_3:
0x2a: {  	s31 =	smul.u32 $0xA000, s30;
	s30 =	sadd.s32 $0x1, s30  }
0x2b: {  	[sflag:s13] =	ssyncadd.s32 $0xFFFFD800;
	s0 =	smov.u32 s29;
	s2 =	sadd.s32 $0x1, s29  }
0x2c: {  	[tilespmem:s26], [sflag:s25] =	stream.indirect.gather [hbm4b:s4+s14], $0x80, s28, s14, $0xb8;
	[tilespmem:$0x1B000] =	vst v63  }
0x2d: {  	p0 =	sne.s32 s29, $0x16;
	s25 =	sshrl.u32 s31, $0x2;
	_ =	swait.ge [sflag:s30], $0x2800  }
.Ltmp0:
0x2e: {  	s26 =	sadd.s32 $0x2000, s25;
	[sflag:s30] =	ssyncset.done $0x0;
	(pc) =	sbr.rel @p0 .LBB2_3-.Ltmp0, $4  }
0x2f: {  	s28 =	smov.u32 s23;
	s25 =	smov.u32 s30;
	[sflag:s30] =	ssyncadd.s32 $0xFFFFD800  }
0x30: {  	[spmem:s1] =	stream.indirect.scatter.add.f32 [tilespmem:s26], [sflag:$0x3], $0x80, s24, s14, $0xb8;
	[tilespmem:$0x1B000] =	vst v63  }
0x31: {  	s23 =	sadd.s32 $0x80, s23;
	s24 =	sadd.s32 $0x80, s24;
	_ =	swait.ge [sflag:s13], $0x2800  }
0x32: {  	s29 =	smov.u32 s2;
	s30 =	sand.u32 $0x1, s0;
	[sflag:s13] =	ssyncset.done $0x0  }
0x33: {  	s0 =	smul.u32 $0xA000, s30;
	s2 =	sadd.s32 $0x1, s30;
	[sflag:s13] =	ssyncadd.s32 $0xFFFFD800  }
0x34: {  	[tilespmem:s26], [sflag:s25] =	stream.indirect.gather [hbm4b:s4+s14], $0x80, s28, s14, $0xb8;
	[tilespmem:$0x1B000] =	vst v63  }
0x35: {  	_ =	swait.ge [sflag:s2], $0x2800  }
0x36: {  	s0 =	sshrl.u32 s0, $0x2;
	[sflag:s2] =	ssyncset.done $0x0  }
0x37: {  	s0 =	sadd.s32 $0x2000, s0;
	[sflag:s2] =	ssyncadd.s32 $0xFFFFD800  }
0x38: {  	[spmem:s1] =	stream.indirect.scatter.add.f32 [tilespmem:s0], [sflag:$0x3], $0x80, s24, s14, $0xb8;
	[tilespmem:$0x1B000] =	vst v63  }
0x39: {  	_ =	swait.ge [sflag:s13], $0x2800  }
0x3a: {  	[sflag:s13] =	ssyncset.done $0x0  }
0x3b: {  	[sflag:s13] =	ssyncadd.s32 $0xFFFFD800  }
0x3c: {  	[tilespmem:s0], [sflag:s2] =	stream.indirect.gather [hbm4b:s4+s14], $0x80, s23, s14, $0xb8;
	[tilespmem:$0x1B000] =	vst v63  }
0x3d: {  	_ =	swait.ge [sflag:s18], $0x2800  }
0x3e: {  	[sflag:s18] =	ssyncset.done $0x0  }
0x3f: {  	[sflag:s18] =	ssyncadd.s32 $0xFFFFD800  }
0x40: {  	[spmem:s1] =	stream.indirect.scatter.add.f32 [tilespmem:s17], [sflag:$0x3], $0x80, s19, s14, $0xb8;
	[tilespmem:$0x1B000] =	vst v63  }
0x41: {  	_ =	swait.ge [sflag:s13], $0x2800  }
0x42: {  	[sflag:s13] =	ssyncset.done $0x0  }
0x43: {  	[sflag:s13] =	ssyncadd.s32 $0xFFFFD800  }
0x44: {  	s22 =	sadd.s32 $0x1, s22;
	_ =	swait.ge [sflag:s20], $0x2800  }
0x45: {  	p0 =	sne.s32 s22, $0x5;
	[sflag:s20] =	ssyncset.done $0x0  }
.Ltmp1:
0x46: {  	[sflag:s20] =	ssyncadd.s32 $0xFFFFD800;
	(pc) =	sbr.rel @p0 .LBB2_2-.Ltmp1, $4  }
0x47: {  	[spmem:s1] =	stream.indirect.scatter.add.f32 [tilespmem:s15], [sflag:$0x3], $0x80, s21, s14, $0xb8;
	[tilespmem:$0x1B000] =	vst v63  }
0x48: {  	_ =	swait.ge [sflag:s13], $0x2800  }
0x49: {  	[sflag:s13] =	ssyncset.done $0x0  }
0x4a: {  	[sflag:s13] =	ssyncadd.s32 $0xFFFFD800  }
0x4b: {  	s3 =	sadd.s32 $0x1, s3  }
0x4c: {  	p0 =	sne.s32 s3, s11  }
.Ltmp2:
0x4d: {  	[bflag:$0x0] =	sbarrier.arrive $0xFFFF;
	(pc) =	sbr.rel @p0 .LBB2_1-.Ltmp2, $4  }
0x4e: {  	[hbm:s10], [sflag:s8] =	dma.local [spmem:s12], $0x2800  }
0x4f: {  	_ =	swait.ge [sflag:s13], $0x2800  }
0x50: {  	[sflag:s13] =	ssyncset.done $0x0  }
0x51: {  	[sflag:s13] =	ssyncadd.s32 $0xFFFFD800  }
0x52: {  	_ =	sfence.sel $0x180000  }
0x53: {  	[bflag:$0x0] =	sbarrier.arrive $0xFFFF  }
0x54: {  	_ =	strace $0x90000047  }
0x55: {  	s0 =	stileid.u32;
	[bflag:$0x2] =	sbarrier.arrive $0xFFFF  }
0x56: {  	p0 =	sne.s32 s0, $0x0;
	s0 =	rddreg [dreg:$0x2]  }
0x57: {  	s0 =	sadd.s32 @!p0 $0x100000, s0  }
0x58: {  	[sflag:s0] =	ssyncadd.tile.s32 @!p0 $0x1;
	_ =	shalt  }
.Lfunc_end2:
_tile_overlayer_lowered:
.L_overlay_start_2:
0x59: {  	(tag) =	ssettag $0x2  }
0x5a: {  	s0 =	rddreg [dreg:$0x0];
	s2 =	stileid.u32  }
0x5b: {  	s1 =	rddreg [dreg:$0x1];
	p0 =	sne.s32 s2, $0x0  }
0x5c: {  	s3 =	rddreg [dreg:$0x2];
	[bflag:$0x3] =	sbarrier.arrive $0xFFFF;
	s2 =	simm.s32 @!p0 $0x1C03  }
0x5d: {  	[timem:s3], [sflag:s2] =	dma.local @!p0 [hbm:s0], s1  }
0x5e: {  	s0 =	simm.s32 @!p0 $0x3  }
0x5f: {  	_ =	swait.ge @!p0 [sflag:s0], s1  }
0x60: {  	s1 =	ssub.s32 @!p0 $0x0, s1;
	[sflag:s0] =	ssyncset.done @!p0 $0x0  }
0x61: {  	[sflag:s0] =	ssyncadd.s32 @!p0 s1  }
0x62: {  	[bflag:$0x3] =	sbarrier.arrive $0xFFFF  }
0x63: {  	_ =	shalt  }

// kernel: body.17.cloned.1.call-start
scs
__scs_entry_jumppad:
0x0: {  	(pc) =	sbr.rel $0x88, $3  }
0x1: {  	(tag) =	ssettag $0x0;
	lr =	simm.s32 $0x1  }
0x2: {  	[smem:$0x3F91] =	sst lr;
	_ =	strace $0xD0000000  }
0x3: {  	_ = 	snop  }
0x4: {  	_ = 	snop  }
0x5: {  	_ = 	snop  }
0x6: {  	_ = 	snop  }
0x7: {  	_ = 	snop  }
__scs_overlays_trampoline_lowered:
0x8: {  	[smem:$0x3FA0] =	sst s0  }
0x9: {  	[smem:$0x3FA1] =	sst s1  }
0xa: {  	[smem:$0x3FA2] =	sst s2  }
0xb: {  	[smem:$0x3FA3] =	sst s3  }
0xc: {  	[smem:$0x3FA4] =	sst s4  }
0xd: {  	[smem:$0x3FA5] =	sst s5  }
0xe: {  	[smem:$0x3FA6] =	sst s6  }
0xf: {  	[smem:$0x3FA7] =	sst s7  }
0x10: {  	[smem:$0x3FA8] =	sst s8  }
0x11: {  	[smem:$0x3FA9] =	sst s9;
	s0 =	simm.s32 @!p0 $0x0  }
0x12: {  	s1 =	sld [smem:$0x3F8F];
	s0 =	simm.s32 @p0 $0x1  }
0x13: {  	[smem:$0x3FAA] =	sst s0;
	s0 =	simm.s32 @!p1 $0x0  }
0x14: {  	s2 =	sld [smem:$0x3F8E];
	s0 =	simm.s32 @p1 $0x1  }
0x15: {  	[smem:$0x3FAB] =	sst s0;
	s0 =	simm.s32 @!p2 $0x0  }
0x16: {  	s3 =	sld [smem:$0x3FDB];
	s0 =	simm.s32 @p2 $0x1  }
0x17: {  	s4 =	simm.s32 $0x1BF5;
	[smem:$0x3FAD] =	sst s0  }
0x18: {  	s0 =	sld [smem:$0x3F90];
	_ =	swait.ge [sflag:s4], $0x0  }
0x19: {  	s7 =	sld [smem:$0x3F91]  }
0x1a: {  	s8 =	sadd.s32 $0xFFFFE003, lr  }
0x1b: {  	s9 =	sadd.s32 $0xFFFFFEF7, lr;
	s5 =	simm.s32 $0xFFFFFFFF;
	p2 =	slt.u32 s8, $0xFFFFF086  }
0x1c: {  	p1 =	slt.u32 s9, $0xF7A;
	s5 =	simm.s32 @!p2 $0x0  }
0x1d: {  	s5 =	simm.s32 @p1 $0x1;
	p0 =	seq.s32 s7, s2  }
0x1e: {  	s7 =	smul.u32 @!p0 $0xF7A, s2;
	p2 =	seq.s32 @!p0 s5, $0x0  }
0x1f: {  	s9 =	smul.u32 $0xF7A, s1;
	s8 =	simm.s32 @!p0 $0x1BF5;
	p2 =	por !p2, p0  }
0x20: {  	[sflag:s8] =	ssyncset.s32 @!p0 $0xFFFFF086;
	s6 =	sadd.s32 @!p0 s3, s7;
	s7 =	simm.s32 @!p0 $0x108  }
0x21: {  	s3 =	sadd.s32 s3, s9;
	s6 =	sadd.s32 @!p0 $0x88, s6;
	s7 =	simm.s32 @p2 $0x1082  }
0x22: {  	[simem:s7], [sflag:s8] =	dma.local @!p0 [hbm:s6], $0xF7A  }
0x23: {  	s9 =	sor.u32 $0xD0000000, s2;
	s6 =	simm.s32 $0x108;
	_ =	swait.ge @!p0 [sflag:s8], $0x0  }
0x24: {  	s3 =	sadd.s32 $0x88, s3;
	s6 =	simm.s32 @!p1 $0x1082;
	[sflag:s4] =	ssyncset.s32 $0xFFFFF086  }
0x25: {  	[simem:s6], [sflag:s4] =	dma.local [hbm:s3], $0xF7A  }
0x26: {  	[smem:$0x3F91] =	sst s1;
	(tag) =	ssettag s2;
	_ =	strace s9  }
0x27: {  	s1 =	sld [smem:$0x3FA1]  }
0x28: {  	s2 =	sld [smem:$0x3FA2]  }
0x29: {  	s4 =	sld [smem:$0x3FA4]  }
0x2a: {  	p0 =	seq.s32 s5, $0x0;
	s5 =	sld [smem:$0x3FA5]  }
0x2b: {  	s6 =	sld [smem:$0x3FA6]  }
0x2c: {  	s7 =	sld [smem:$0x3FA7]  }
0x2d: {  	s3 =	simm.s32 $0x108;
	s8 =	sld [smem:$0x3FA8]  }
0x2e: {  	s3 =	simm.s32 @!p0 $0x1082;
	s9 =	sld [smem:$0x3FA9]  }
0x2f: {  	lr =	sadd.s32 s0, s3;
	s0 =	sld [smem:$0x3FA0]  }
0x30: {  	s3 =	sld [smem:$0x3FA3]  }
0x31: {  	[smem:$0x3FAC] =	sst s10  }
0x32: {  	s10 =	sld [smem:$0x3FAA];
	_ =	sdelay $0x3  }
0x33: {  	p0 =	seq.s32 s10, $0x1;
	s10 =	sld [smem:$0x3FAC];
	_ =	sdelay $0x3  }
0x34: {  	[smem:$0x3FAC] =	sst s10  }
0x35: {  	s10 =	sld [smem:$0x3FAB];
	_ =	sdelay $0x3  }
0x36: {  	p1 =	seq.s32 s10, $0x1;
	s10 =	sld [smem:$0x3FAC];
	_ =	sdelay $0x3  }
0x37: {  	[smem:$0x3FAC] =	sst s10  }
0x38: {  	s10 =	sld [smem:$0x3FAD]  }
0x39: {  	_ = 	snop;
	(pc) =	sbr.ind lr, $3  }
0x3a: {  	_ = 	snop  }
0x3b: {  	_ = 	snop  }
0x3c: {  	p2 =	seq.s32 s10, $0x1;
	s10 =	sld [smem:$0x3FAC]  }
0x3d: {  	_ =	shalt  }
0x3e: {  	_ =	shalt  }
0x3f: {  	_ =	shalt  }
0x40: {  	_ =	shalt  }
0x41: {  	_ =	shalt  }
0x42: {  	_ =	shalt  }
0x43: {  	_ =	shalt  }
0x44: {  	_ =	shalt  }
0x45: {  	_ =	shalt  }
0x46: {  	_ =	shalt  }
0x47: {  	_ =	shalt  }
0x48: {  	_ =	shalt  }
0x49: {  	_ =	shalt  }
0x4a: {  	_ =	shalt  }
0x4b: {  	_ =	shalt  }
0x4c: {  	_ =	shalt  }
0x4d: {  	_ =	shalt  }
0x4e: {  	_ =	shalt  }
0x4f: {  	_ =	shalt  }
0x50: {  	_ =	shalt  }
0x51: {  	_ =	shalt  }
0x52: {  	_ =	shalt  }
0x53: {  	_ =	shalt  }
0x54: {  	_ =	shalt  }
0x55: {  	_ =	shalt  }
0x56: {  	_ =	shalt  }
0x57: {  	_ =	shalt  }
0x58: {  	_ =	shalt  }
0x59: {  	_ =	shalt  }
0x5a: {  	_ =	shalt  }
0x5b: {  	_ =	shalt  }
0x5c: {  	_ =	shalt  }
0x5d: {  	_ =	shalt  }
0x5e: {  	_ =	shalt  }
0x5f: {  	_ =	shalt  }
0x60: {  	_ =	shalt  }
0x61: {  	_ =	shalt  }
0x62: {  	_ =	shalt  }
0x63: {  	_ =	shalt  }
0x64: {  	_ =	shalt  }
0x65: {  	_ =	shalt  }
0x66: {  	_ =	shalt  }
0x67: {  	_ =	shalt  }
0x68: {  	_ =	shalt  }
0x69: {  	_ =	shalt  }
0x6a: {  	_ =	shalt  }
0x6b: {  	_ =	shalt  }
0x6c: {  	_ =	shalt  }
0x6d: {  	_ =	shalt  }
0x6e: {  	_ =	shalt  }
0x6f: {  	_ =	shalt  }
0x70: {  	_ =	shalt  }
0x71: {  	_ =	shalt  }
0x72: {  	_ =	shalt  }
0x73: {  	_ =	shalt  }
0x74: {  	_ =	shalt  }
0x75: {  	_ =	shalt  }
0x76: {  	_ =	shalt  }
0x77: {  	_ =	shalt  }
0x78: {  	_ =	shalt  }
0x79: {  	_ =	shalt  }
0x7a: {  	_ =	shalt  }
0x7b: {  	_ =	shalt  }
0x7c: {  	_ =	shalt  }
0x7d: {  	_ =	shalt  }
0x7e: {  	_ =	shalt  }
0x7f: {  	_ =	shalt  }
0x80: {  	_ =	shalt  }
0x81: {  	_ =	shalt  }
0x82: {  	_ =	shalt  }
0x83: {  	_ =	shalt  }
0x84: {  	_ =	shalt  }
0x85: {  	_ =	shalt  }
0x86: {  	_ =	shalt  }
0x87: {  	_ =	shalt  }
.Lfunc_end0:
.L_simem_size_0:
called_computation.1_lowered:
.L_overlay_start_0:
0x88: {  	s2 =	sld [smem:$0x3FD9]  }
0x89: {  	s3 =	sld [smem:$0x3FFE];
	_ =	sdelay $0x1  }
0x8a: {  	s1 =	srdreg.scid  }
0x8b: {  	s0 =	sand.u32 $0x1, s1  }
0x8c: {  	s16 =	sshll.u32 s0, $0xA;
	s2 =	sadd.s32 s3, s2  }
0x8d: {  	s2 =	sadd.s32 s2, s16  }
0x8e: {  	[smem:$0x3FB8] =	sst s2  }
0x8f: {  	_ = 	snop  }
0x90: {  	(tm) =	ssettm $0x1  }
0x91: {  	s17 =	sld [smem:$0x3FFB];
	_ =	sdelay $0x3  }
0x92: {  	_ =	strace s17  }
0x93: {  	s2 =	sld [smem:$0x3FFC];
	_ =	sdelay $0x3  }
0x94: {  	_ =	strace s2  }
0x95: {  	s2 =	sld [smem:$0x3FFD];
	_ =	sdelay $0x3  }
0x96: {  	_ =	strace s2  }
0x97: {  	_ =	strace $0x8FFFFFFF  }
0x98: {  	s18 =	sld [smem:$0x3FDB];
	_ =	sdelay $0x1  }
0x99: {  	s19 =	simm.s32 $_scs_section_size  }
0x9a: {  	s4 =	simm.s32 $_size__tile_overlayer_lowered;
	s5 =	simm.s32 $_tile_overlayer_lowered  }
0x9b: {  	s22 =	simm.s32 $0x1BFF;
	s21 =	sshll.u32 s5, $0x1;
	s2 =	sadd.s32 s19, s18  }
0x9c: {  	s6 =	simm.s32 $0x0;
	s20 =	sshll.u32 s4, $0x1;
	s4 =	sadd.s32 s21, s2  }
0x9d: {  	[timem:s6], [sflag:s22] =	dma.local [hbm:s4], s20  }
0x9e: {  	_ =	swait.ge [sflag:s22], s20  }
0x9f: {  	s3 =	ssub.s32 $0x0, s20;
	[sflag:s22] =	ssyncset.done $0x0  }
0xa0: {  	[sflag:s22] =	ssyncadd.s32 s3;
	_ =	sdelay $0x1  }
0xa1: {  	s23 =	simm.s32 $0x1B8B  }
0xa2: {  	_ =	swait.ge [sflag:s23], $0x1  }
0xa3: {  	[sflag:s23] =	ssyncset.done $0x0  }
0xa4: {  	s25 =	simm.s32 $0x1B8E;
	s24 =	sld [smem:$0x3FFE];
	[sflag:s23] =	ssyncadd.s32 $0xFFFFFFFF  }
0xa5: {  	s26 =	simm.s32 $execute0_lowered;
	[smem:$0x3FD2] =	sst s25  }
0xa6: {  	s4 =	sshll.u32 s26, $0x1;
	_ =	strace $0x80000049;
	[dreg:$0x1] =	wrdreg $0xFFFFFFFF  }
0xa7: {  	s28 =	simm.s32 $_size_execute0_lowered;
	s2 =	sadd.s32 s2, s4;
	[dreg:$0x0] =	wrdreg $0x0  }
0xa8: {  	s4 =	sshll.u32 s28, $0x1;
	[dreg:$0x2] =	wrdreg s2  }
0xa9: {  	[dreg:$0x3] =	wrdreg s4  }
0xaa: {  	[dreg:$0x4] =	wrdreg $0xC0  }
0xab: {  	_ =	task [dreg:s6], $0x5FFFF  }
0xac: {  	[dreg:$0x1] =	wrdreg $0xFFFFFFFF  }
0xad: {  	[dreg:$0x0] =	wrdreg $0x60  }
0xae: {  	[dreg:$0x2] =	wrdreg s24  }
0xaf: {  	[dreg:$0x3] =	wrdreg $0xA4000  }
0xb0: {  	[dreg:$0x4] =	wrdreg $0x9  }
0xb1: {  	_ =	task.clear_ibuf [dreg:s6], $0x5FFFF;
	_ =	strace $0x90000049  }
0xb2: {  	s29 =	simm.s32 $0x9;
	_ =	strace $0x8000004B  }
0xb3: {  	_ =	swait.ge [sflag:s29], $0x1  }
0xb4: {  	[sflag:s29] =	ssyncadd.s32 $0xFFFFFFFF  }
0xb5: {  	_ =	strace $0x9000004B  }
0xb6: {  	_ =	sfence  }
0xb7: {  	s30 =	sld [smem:$0x0];
	_ =	sdelay $0x2  }
0xb8: {  	s31 =	sshll.u32 s1, $0xD;
	s1 =	sshrl.u32 s1, $0x2  }
0xb9: {  	s3 =	sand.u32 $0x4000, s31;
	s1 =	sadd.s32 s1, s30  }
0xba: {  	s0 =	sor.u32 s3, s0;
	s1 =	sshll.u32 s1, $0x11  }
0xbb: {  	s0 =	sor.u32 s1, s0  }
0xbc: {  	s0 =	sadd.s32 $0x8F2B, s0  }
0xbd: {  	[sflag:s0] =	ssyncadd.remote.s32 $0x1  }
0xbe: {  	_ =	sfence.sel $0xFFFF  }
0xbf: {  	[dreg:$0x0] =	wrdreg $0xFFFFFFFF;
	(pc) =	sbr.abs _section_cstart, $3  }
0xc0: {  	[dreg:$0x1] =	wrdreg $0xFFFFFFFF  }
0xc1: {  	_ =	task.clear_ibuf [dreg:s6], $0x2FFFF;
	_ =	strace $0x9FFFFFFF  }
0xc2: {  	(tm) =	ssettm $0x7FFFFFFF  }
0xc3: {  	_ =	shalt  }
tec
execute0_lowered:
.L_overlay_start_1:
0x0: {  	(tag) =	ssettag $0x1  }
0x1: {  	s0 =	rddreg [dreg:$0x0]  }
0x2: {  	s1 =	rddreg [dreg:$0x1]  }
0x3: {  	s2 =	simm.s32 $0x0;
	s3 =	srdreg.scid;
	s15 =	stileid.u32  }
0x4: {  	s16 =	simm.s32 $0x50;
	s17 =	simm.s32 $0x5400;
	s18 =	simm.s32 $0x1C80  }
0x5: {  	s19 =	simm.s32 $0x7C00;
	s20 =	simm.s32 $0x1;
	s22 =	simm.s32 $0x2  }
0x6: {  	s23 =	simm.s32 $0x5080;
	[smem:$0x7FF] =	sst s2;
	s4 =	sadd.s32 $0x259600, s0  }
0x7: {  	s5 =	sadd.s32 $0x4C00, s0;
	s6 =	sadd.s32 $0xCA400, s0;
	s7 =	sadd.s32 $0x256E00, s0  }
0x8: {  	s3 =	sand.u32 $0x1, s3;
	s9 =	smul.u32 $0x50000, s15;
	s0 =	sadd.s32 $0x280800, s0  }
0x9: {  	s29 =	smul.u32 $0x280, s15;
	s12 =	sshll.u32 s15, $0x1;
	s8 =	ssub.s32 $0x2, s3  }
0xa: {  	s30 =	sshll.u32 s15, $0x6;
	s3 =	smul.u32 $0x5000, s3;
	s10 =	sshrl.u32 s8, $0x1  }
0xb: {  	_ =	strace $0x8000004A;
	s9 =	sshrl.u32 s9, $0x2;
	s10 =	ssub.s32 s8, s10  }
0xc: {  	v0 =	vlaneseq.u32;
	s13 =	sadd.s32 s9, s1;
	s21 =	sadd.s32 $0x2800, s3;
	s11 =	sadd.s32 s29, s3  }
0xd: {  	v1 =	vshrl.u32 v0, $0x3;
	s8 =	sor.u32 $0x1C03, s30;
	s9 =	smul.u32 $0x8C00, s15;
	s15 =	simm.s32 $0x1C00  }
0xe: {  	v2 =	vmov s12;
	v1 =	vmul.u32 $0x100, v1;
	s14 =	sadd.s32 s29, s21;
	s11 =	sshll.u32 s11, $0x4;
	s31 =	smax.u32 s10, $0x1  }
0xf: {  	v0 =	vand.u32 $0x3, v0;
	v2 =	vshll.u32 v2, $0x8;
	s14 =	sshll.u32 s14, $0x4;
	s11 =	sadd.s32 s0, s11;
	[dreg:$0x5] =	wrdreg s31  }
0x10: {  	v0 =	vadd.s32 $0xFA, v0;
	v1 =	vor.u32 v1, v2;
	s13 =	sshrl.u32 s13, $0x3;
	[dreg:$0x3] =	wrdreg s11;
	s0 =	sadd.s32 s0, s14  }
0x11: {  	v0 =	vor.u32 v0, v1;
	v1 =	vmov s3;
	v2 =	vmov s21;
	s21 =	simm.s32 $0x5000;
	s14 =	simm.s32 $0x3;
	[dreg:$0x4] =	wrdreg s0  }
.LBB2_1:
0x12: {  	[spmem:s13], [sflag:s8] =	dma.local [hbm:s7], $0x2800  }
0x13: {  	_ =	swait.ge [sflag:s14], $0x2800  }
0x14: {  	[sflag:s14] =	ssyncset.done $0x0  }
0x15: {  	[sflag:s14] =	ssyncadd.s32 $0xFFFFD800  }
0x16: {  	s24 =	simm.s32 $0x0;
	[bflag:$0x0] =	sbarrier.arrive $0xFFFF  }
.LBB2_2:
0x17: {  	s0 =	smul.u32 $0x1C00, s24;
	_ =	sdelay $0x1  }
0x18: {  	s0 =	sadd.s32 s9, s0  }
0x19: {  	s26 =	simm.s32 $0x0;
	s0 =	sshrl.u32 s0, $0x3  }
0x1a: {  	s12 =	smul.u32 $0xCD, s26;
	s3 =	sadd.s32 s5, s0  }
0x1b: {  	[tilespmem:s26], [sflag:$0x3] =	stream.linear.gather [hbm4b:s3+s26], $0x1900, $0x38;
	[tilespmem:$0x1E400] =	vst v63  }
0x1c: {  	_ =	swait.ge [sflag:s14], $0x1900  }
0x1d: {  	s25 =	sshrl.u32 s12, $0xA;
	[sflag:s14] =	ssyncset.done $0x0  }
0x1e: {  	s0 =	sadd.s32 s6, s0;
	s3 =	smul.u32 $0x5, s25;
	[sflag:s14] =	ssyncadd.s32 $0xFFFFE700  }
0x1f: {  	[tilespmem:s15], [sflag:$0x3] =	stream.linear.gather [hbm4b:s0+s26], $0x1900, $0x38;
	[tilespmem:$0x1E400] =	vst v63  }
0x20: {  	s28 =	simm.s32 $0x1;
	s3 =	ssub.s32 $0x0, s3;
	_ =	swait.ge [sflag:s14], $0x1900  }
0x21: {  	s3 =	sshll.u32 s3, $0x4;
	s0 =	sshrl.u32 s12, $0x3;
	[sflag:s14] =	ssyncset.done $0x0  }
0x22: {  	s3 =	sand.u32 $0xF0, s3;
	s0 =	sand.u32 $0x1F80, s0;
	[sflag:s14] =	ssyncadd.s32 $0xFFFFE700  }
0x23: {  	[tilespmem:s17], [sflag:$0x1] =	stream.indirect.gather [hbm4b:s4+s16], $0x80, s15, s16, $0xb8;
	[tilespmem:$0x1E400] =	vst v63  }
0x24: {  	s10 =	smul.u32 $0xCD, s28;
	s29 =	sor.u32 s3, s0  }
0x25: {  	[tilespmem:s19], [sflag:$0x2] =	stream.indirect.gather [hbm4b:s4+s16], $0x80, s18, s16, $0xb8;
	[tilespmem:$0x1E400] =	vst v63  }
0x26: {  	s3 =	sshrl.u32 s10, $0xA;
	v3 =	vld [tilespmem:s29+$0x0]  }
0x27: {  	s0 =	smul.u32 $0x5, s3  }
0x28: {  	s25 =	simm.s32 $0x2  }
0x29: {  	s30 =	smul.u32 $0xCD, s25;
	s0 =	ssub.s32 $0x1, s0  }
0x2a: {  	s11 =	sshrl.u32 s10, $0x3;
	s0 =	sshll.u32 s0, $0x4  }
0x2b: {  	s12 =	sshrl.u32 s30, $0xA;
	s3 =	sand.u32 $0x1F80, s11;
	s0 =	sand.u32 $0xF0, s0;
	v4 =	vsub.s32 v3, v1  }
0x2c: {  	s10 =	smul.u32 $0x5, s12;
	s31 =	sor.u32 s0, s3;
	vm0 =	vlt.u32 v4, $0x2800  }
0x2d: {  	s0 =	simm.s32 $0x3;
	s3 =	simm.s32 $0x2;
	v3 =	vld [tilespmem:s31+$0x0];
	v4 =	vsel vm0, v4, v0  }
.LBB2_3:
0x2e: {  	s10 =	ssub.s32 s3, s10;
	s11 =	sshrl.u32 s30, $0x3;
	s30 =	smul.u32 $0xCD, s0  }
0x2f: {  	[tilespmem:s29+$0x3800] =	vst v4;
	s3 =	smov.u32 s0;
	s29 =	smov.u32 s31;
	p0 =	sne.s32 s0, $0xF9  }
.Ltmp0:
0x30: {  	s0 =	sadd.s32 $0x1, s0;
	s10 =	sshll.u32 s10, $0x4;
	(pc) =	sbr.rel @p0 .LBB2_3-.Ltmp0, $4  }
0x31: {  	s11 =	sand.u32 $0x1F80, s11;
	s10 =	sand.u32 $0xF0, s10  }
0x32: {  	s12 =	sshrl.u32 s30, $0xA;
	s31 =	sor.u32 s10, s11;
	v4 =	vsub.s32 v3, v1  }
0x33: {  	s10 =	smul.u32 $0x5, s12;
	v3 =	vld [tilespmem:s31+$0x0];
	vm0 =	vlt.u32 v4, $0x2800  }
0x34: {  	v4 =	vsel vm0, v4, v0  }
0x35: {  	s0 =	ssub.s32 s3, s10  }
0x36: {  	s10 =	sshrl.u32 s30, $0x3;
	s0 =	sshll.u32 s0, $0x4  }
0x37: {  	s3 =	sand.u32 $0x1F80, s10;
	s0 =	sand.u32 $0xF0, s0  }
0x38: {  	[tilespmem:s29+$0x3800] =	vst v4;
	s0 =	sor.u32 s0, s3  }
0x39: {  	v4 =	vld [tilespmem:s0+$0x0];
	_ =	sdelay $0x3  }
0x3a: {  	v3 =	vsub.s32 v3, v1  }
0x3b: {  	vm0 =	vlt.u32 v3, $0x2800;
	v4 =	vsub.s32 v4, v1  }
0x3c: {  	v3 =	vsel vm0, v3, v0;
	vm15 =	vlt.u32 v4, $0x2800  }
0x3d: {  	s11 =	sand.u32 $0x1, s26;
	[tilespmem:s31+$0x3800] =	vst v3;
	v3 =	vsel vm15, v4, v0  }
0x3e: {  	s12 =	smul.u32 $0xA000, s11;
	s30 =	sadd.s32 $0x1, s11;
	[tilespmem:s0+$0x3800] =	vst v3  }
0x3f: {  	_ =	swait.ge [sflag:s30], $0x2800  }
0x40: {  	s0 =	sshrl.u32 s12, $0x2;
	[sflag:s30] =	ssyncset.done $0x0  }
0x41: {  	s26 =	simm.s32 $0x3800;
	s31 =	sadd.s32 $0x5400, s0;
	[sflag:s30] =	ssyncadd.s32 $0xFFFFD800  }
0x42: {  	[spmem:s1] =	stream.indirect.scatter.add.f32 [tilespmem:s31], [sflag:$0x3], $0x80, s26, s16, $0xb8;
	[tilespmem:$0x1E400] =	vst v63  }
0x43: {  	s29 =	simm.s32 $0x3880;
	s3 =	sand.u32 $0x1, s28;
	_ =	swait.ge [sflag:s14], $0x2800  }
0x44: {  	s0 =	simm.s32 $0x1D00;
	s26 =	simm.s32 $0x1D80;
	[sflag:s14] =	ssyncset.done $0x0  }
.LBB2_5:
0x45: {  	s10 =	smul.u32 $0xA000, s3;
	s3 =	sadd.s32 $0x1, s3  }
0x46: {  	[sflag:s14] =	ssyncadd.s32 $0xFFFFD800;
	s11 =	smov.u32 s25;
	s12 =	sadd.s32 $0x1, s25  }
0x47: {  	[tilespmem:s31], [sflag:s30] =	stream.indirect.gather [hbm4b:s4+s16], $0x80, s0, s16, $0xb8;
	[tilespmem:$0x1E400] =	vst v63  }
0x48: {  	p0 =	sne.s32 s25, $0x2F;
	s0 =	sshrl.u32 s10, $0x2;
	_ =	swait.ge [sflag:s3], $0x2800  }
.Ltmp1:
0x49: {  	s31 =	sadd.s32 $0x5400, s0;
	[sflag:s3] =	ssyncset.done $0x0;
	(pc) =	sbr.rel @p0 .LBB2_5-.Ltmp1, $4  }
0x4a: {  	s30 =	smov.u32 s3;
	s25 =	smov.u32 s12;
	[sflag:s3] =	ssyncadd.s32 $0xFFFFD800  }
0x4b: {  	[spmem:s1] =	stream.indirect.scatter.add.f32 [tilespmem:s31], [sflag:$0x3], $0x80, s29, s16, $0xb8;
	[tilespmem:$0x1E400] =	vst v63  }
0x4c: {  	s0 =	smov.u32 s26;
	s29 =	sadd.s32 $0x80, s29;
	_ =	swait.ge [sflag:s14], $0x2800  }
0x4d: {  	s26 =	sadd.s32 $0x80, s26;
	s3 =	sand.u32 $0x1, s11;
	[sflag:s14] =	ssyncset.done $0x0  }
0x4e: {  	s10 =	smul.u32 $0xA000, s3;
	s28 =	sadd.s32 $0x1, s3;
	[sflag:s14] =	ssyncadd.s32 $0xFFFFD800  }
0x4f: {  	[tilespmem:s31], [sflag:s30] =	stream.indirect.gather [hbm4b:s4+s16], $0x80, s0, s16, $0xb8;
	[tilespmem:$0x1E400] =	vst v63  }
0x50: {  	_ =	swait.ge [sflag:s28], $0x2800  }
0x51: {  	s31 =	sshrl.u32 s10, $0x2;
	[sflag:s28] =	ssyncset.done $0x0  }
0x52: {  	s0 =	sadd.s32 $0x5400, s31;
	[sflag:s28] =	ssyncadd.s32 $0xFFFFD800  }
0x53: {  	[spmem:s1] =	stream.indirect.scatter.add.f32 [tilespmem:s0], [sflag:$0x3], $0x80, s29, s16, $0xb8;
	[tilespmem:$0x1E400] =	vst v63  }
0x54: {  	_ =	swait.ge [sflag:s14], $0x2800  }
0x55: {  	[sflag:s14] =	ssyncset.done $0x0  }
0x56: {  	[sflag:s14] =	ssyncadd.s32 $0xFFFFD800  }
0x57: {  	[tilespmem:s0], [sflag:s28] =	stream.indirect.gather [hbm4b:s4+s16], $0x80, s26, s16, $0xb8;
	[tilespmem:$0x1E400] =	vst v63  }
0x58: {  	_ =	swait.ge [sflag:s20], $0x2800  }
0x59: {  	[sflag:s20] =	ssyncset.done $0x0  }
0x5a: {  	[sflag:s20] =	ssyncadd.s32 $0xFFFFD800  }
0x5b: {  	[spmem:s1] =	stream.indirect.scatter.add.f32 [tilespmem:s17], [sflag:$0x3], $0x80, s21, s16, $0xb8;
	[tilespmem:$0x1E400] =	vst v63  }
0x5c: {  	_ =	swait.ge [sflag:s14], $0x2800  }
0x5d: {  	[sflag:s14] =	ssyncset.done $0x0  }
0x5e: {  	[sflag:s14] =	ssyncadd.s32 $0xFFFFD800  }
0x5f: {  	s24 =	sadd.s32 $0x1, s24;
	_ =	swait.ge [sflag:s22], $0x2800  }
0x60: {  	p0 =	sne.s32 s24, $0x5;
	[sflag:s22] =	ssyncset.done $0x0  }
.Ltmp2:
0x61: {  	[sflag:s22] =	ssyncadd.s32 $0xFFFFD800;
	(pc) =	sbr.rel @p0 .LBB2_2-.Ltmp2, $4  }
0x62: {  	[spmem:s1] =	stream.indirect.scatter.add.f32 [tilespmem:s19], [sflag:$0x3], $0x80, s23, s16, $0xb8;
	[tilespmem:$0x1E400] =	vst v63  }
0x63: {  	_ =	swait.ge [sflag:s14], $0x2800  }
0x64: {  	[sflag:s14] =	ssyncset.done $0x0  }
0x65: {  	[sflag:s14] =	ssyncadd.s32 $0xFFFFD800  }
0x66: {  	[bflag:$0x0] =	sbarrier.arrive $0xFFFF  }
0x67: {  	s0 =	rddreg [dreg:$0x3]  }
0x68: {  	[hbm:s0], [sflag:s8] =	dma.local [spmem:s13], $0x2800  }
0x69: {  	_ =	swait.ge [sflag:s14], $0x2800  }
0x6a: {  	[sflag:s14] =	ssyncset.done $0x0  }
0x6b: {  	[sflag:s14] =	ssyncadd.s32 $0xFFFFD800  }
0x6c: {  	[bflag:$0x0] =	sbarrier.arrive $0xFFFF  }
0x6d: {  	[spmem:s13], [sflag:s8] =	dma.local [hbm:s7], $0x2800  }
0x6e: {  	_ =	swait.ge [sflag:s14], $0x2800  }
0x6f: {  	[sflag:s14] =	ssyncset.done $0x0  }
0x70: {  	[sflag:s14] =	ssyncadd.s32 $0xFFFFD800  }
0x71: {  	s24 =	simm.s32 $0x0;
	s25 =	simm.s32 $0x0;
	[bflag:$0x0] =	sbarrier.arrive $0xFFFF  }
.LBB2_8:
0x72: {  	s0 =	smul.u32 $0x1C00, s25;
	_ =	sdelay $0x1  }
0x73: {  	s0 =	sadd.s32 s9, s0  }
0x74: {  	s0 =	sshrl.u32 s0, $0x3  }
0x75: {  	s31 =	smul.u32 $0xCD, s24;
	s3 =	sadd.s32 s5, s0  }
0x76: {  	[tilespmem:s24], [sflag:$0x3] =	stream.linear.gather [hbm4b:s3+s24], $0x1900, $0x38;
	[tilespmem:$0x1E400] =	vst v63  }
0x77: {  	_ =	swait.ge [sflag:s14], $0x1900  }
0x78: {  	s10 =	sshrl.u32 s31, $0xA;
	[sflag:s14] =	ssyncset.done $0x0  }
0x79: {  	s0 =	sadd.s32 s6, s0;
	s3 =	smul.u32 $0x5, s10;
	[sflag:s14] =	ssyncadd.s32 $0xFFFFE700  }
0x7a: {  	[tilespmem:s15], [sflag:$0x3] =	stream.linear.gather [hbm4b:s0+s24], $0x1900, $0x38;
	[tilespmem:$0x1E400] =	vst v63  }
0x7b: {  	s10 =	simm.s32 $0x1;
	s3 =	ssub.s32 $0x0, s3;
	_ =	swait.ge [sflag:s14], $0x1900  }
0x7c: {  	s3 =	sshll.u32 s3, $0x4;
	s0 =	sshrl.u32 s31, $0x3;
	[sflag:s14] =	ssyncset.done $0x0  }
0x7d: {  	s3 =	sand.u32 $0xF0, s3;
	s0 =	sand.u32 $0x1F80, s0;
	[sflag:s14] =	ssyncadd.s32 $0xFFFFE700  }
0x7e: {  	[tilespmem:s17], [sflag:$0x1] =	stream.indirect.gather [hbm4b:s4+s16], $0x80, s15, s16, $0xb8;
	[tilespmem:$0x1E400] =	vst v63  }
0x7f: {  	s10 =	smul.u32 $0xCD, s10;
	s26 =	sor.u32 s3, s0  }
0x80: {  	[tilespmem:s19], [sflag:$0x2] =	stream.indirect.gather [hbm4b:s4+s16], $0x80, s18, s16, $0xb8;
	[tilespmem:$0x1E400] =	vst v63  }
0x81: {  	s11 =	sshrl.u32 s10, $0xA;
	v3 =	vld [tilespmem:s26+$0x0]  }
0x82: {  	s0 =	smul.u32 $0x5, s11  }
0x83: {  	s29 =	simm.s32 $0x2  }
0x84: {  	s28 =	smul.u32 $0xCD, s29;
	s0 =	ssub.s32 $0x1, s0  }
0x85: {  	s12 =	sshrl.u32 s10, $0x3;
	s0 =	sshll.u32 s0, $0x4  }
0x86: {  	s31 =	sshrl.u32 s28, $0xA;
	s3 =	sand.u32 $0x1F80, s12;
	s0 =	sand.u32 $0xF0, s0;
	v4 =	vsub.s32 v3, v2  }
0x87: {  	s30 =	sor.u32 s0, s3;
	s3 =	smul.u32 $0x5, s31;
	vm0 =	vlt.u32 v4, $0x2800  }
0x88: {  	s0 =	simm.s32 $0x3;
	v3 =	vld [tilespmem:s30+$0x0];
	v4 =	vsel vm0, v4, v0  }
.LBB2_9:
0x89: {  	s3 =	ssub.s32 s29, s3;
	s10 =	sshrl.u32 s28, $0x3;
	s28 =	smul.u32 $0xCD, s0  }
0x8a: {  	[tilespmem:s26+$0x3800] =	vst v4;
	s29 =	smov.u32 s0;
	s26 =	smov.u32 s30;
	p0 =	sne.s32 s0, $0xF9  }
.Ltmp3:
0x8b: {  	s0 =	sadd.s32 $0x1, s0;
	s3 =	sshll.u32 s3, $0x4;
	(pc) =	sbr.rel @p0 .LBB2_9-.Ltmp3, $4  }
0x8c: {  	s10 =	sand.u32 $0x1F80, s10;
	s3 =	sand.u32 $0xF0, s3  }
0x8d: {  	s11 =	sshrl.u32 s28, $0xA;
	s30 =	sor.u32 s3, s10;
	v4 =	vsub.s32 v3, v2  }
0x8e: {  	s3 =	smul.u32 $0x5, s11;
	v3 =	vld [tilespmem:s30+$0x0];
	vm0 =	vlt.u32 v4, $0x2800  }
0x8f: {  	v4 =	vsel vm0, v4, v0  }
0x90: {  	s0 =	ssub.s32 s29, s3  }
0x91: {  	s10 =	sshrl.u32 s28, $0x3;
	s0 =	sshll.u32 s0, $0x4  }
0x92: {  	s3 =	sand.u32 $0x1F80, s10;
	s0 =	sand.u32 $0xF0, s0  }
0x93: {  	[tilespmem:s26+$0x3800] =	vst v4;
	s0 =	sor.u32 s0, s3  }
0x94: {  	v4 =	vld [tilespmem:s0+$0x0];
	_ =	sdelay $0x3  }
0x95: {  	v3 =	vsub.s32 v3, v2  }
0x96: {  	vm0 =	vlt.u32 v3, $0x2800;
	v4 =	vsub.s32 v4, v2  }
0x97: {  	s11 =	simm.s32 $0x0;
	v3 =	vsel vm0, v3, v0;
	vm15 =	vlt.u32 v4, $0x2800  }
0x98: {  	s3 =	sand.u32 $0x1, s11;
	[tilespmem:s30+$0x3800] =	vst v3;
	v3 =	vsel vm15, v4, v0  }
0x99: {  	s12 =	smul.u32 $0xA000, s3;
	s29 =	sadd.s32 $0x1, s3;
	[tilespmem:s0+$0x3800] =	vst v3  }
0x9a: {  	s31 =	simm.s32 $0x1D00;
	_ =	swait.ge [sflag:s29], $0x2800  }
0x9b: {  	s26 =	simm.s32 $0x3800;
	s0 =	sshrl.u32 s12, $0x2;
	[sflag:s29] =	ssyncset.done $0x0  }
0x9c: {  	s10 =	simm.s32 $0x1;
	s30 =	sadd.s32 $0x5400, s0;
	[sflag:s29] =	ssyncadd.s32 $0xFFFFD800  }
0x9d: {  	[spmem:s1] =	stream.indirect.scatter.add.f32 [tilespmem:s30], [sflag:$0x3], $0x80, s26, s16, $0xb8;
	[tilespmem:$0x1E400] =	vst v63  }
0x9e: {  	s28 =	simm.s32 $0x3880;
	s3 =	sand.u32 $0x1, s10;
	_ =	swait.ge [sflag:s14], $0x2800  }
0x9f: {  	s0 =	simm.s32 $0x2;
	s26 =	simm.s32 $0x1D80;
	[sflag:s14] =	ssyncset.done $0x0  }
.LBB2_11:
0xa0: {  	s10 =	smul.u32 $0xA000, s3;
	s3 =	sadd.s32 $0x1, s3  }
0xa1: {  	[sflag:s14] =	ssyncadd.s32 $0xFFFFD800;
	s11 =	smov.u32 s0;
	s12 =	sadd.s32 $0x1, s0  }
0xa2: {  	[tilespmem:s30], [sflag:s29] =	stream.indirect.gather [hbm4b:s4+s16], $0x80, s31, s16, $0xb8;
	[tilespmem:$0x1E400] =	vst v63  }
0xa3: {  	p0 =	sne.s32 s0, $0x2F;
	s10 =	sshrl.u32 s10, $0x2;
	_ =	swait.ge [sflag:s3], $0x2800  }
.Ltmp4:
0xa4: {  	s30 =	sadd.s32 $0x5400, s10;
	[sflag:s3] =	ssyncset.done $0x0;
	(pc) =	sbr.rel @p0 .LBB2_11-.Ltmp4, $4  }
0xa5: {  	s29 =	smov.u32 s3;
	s31 =	smov.u32 s26;
	[sflag:s3] =	ssyncadd.s32 $0xFFFFD800  }
0xa6: {  	[spmem:s1] =	stream.indirect.scatter.add.f32 [tilespmem:s30], [sflag:$0x3], $0x80, s28, s16, $0xb8;
	[tilespmem:$0x1E400] =	vst v63  }
0xa7: {  	s26 =	sadd.s32 $0x80, s26;
	s28 =	sadd.s32 $0x80, s28;
	_ =	swait.ge [sflag:s14], $0x2800  }
0xa8: {  	s0 =	smov.u32 s12;
	s3 =	sand.u32 $0x1, s11;
	[sflag:s14] =	ssyncset.done $0x0  }
0xa9: {  	s0 =	smul.u32 $0xA000, s3;
	s12 =	sadd.s32 $0x1, s3;
	[sflag:s14] =	ssyncadd.s32 $0xFFFFD800  }
0xaa: {  	[tilespmem:s30], [sflag:s29] =	stream.indirect.gather [hbm4b:s4+s16], $0x80, s31, s16, $0xb8;
	[tilespmem:$0x1E400] =	vst v63  }
0xab: {  	_ =	swait.ge [sflag:s12], $0x2800  }
0xac: {  	s0 =	sshrl.u32 s0, $0x2;
	[sflag:s12] =	ssyncset.done $0x0  }
0xad: {  	s0 =	sadd.s32 $0x5400, s0;
	[sflag:s12] =	ssyncadd.s32 $0xFFFFD800  }
0xae: {  	[spmem:s1] =	stream.indirect.scatter.add.f32 [tilespmem:s0], [sflag:$0x3], $0x80, s28, s16, $0xb8;
	[tilespmem:$0x1E400] =	vst v63  }
0xaf: {  	_ =	swait.ge [sflag:s14], $0x2800  }
0xb0: {  	[sflag:s14] =	ssyncset.done $0x0  }
0xb1: {  	[sflag:s14] =	ssyncadd.s32 $0xFFFFD800  }
0xb2: {  	[tilespmem:s0], [sflag:s12] =	stream.indirect.gather [hbm4b:s4+s16], $0x80, s26, s16, $0xb8;
	[tilespmem:$0x1E400] =	vst v63  }
0xb3: {  	_ =	swait.ge [sflag:s20], $0x2800  }
0xb4: {  	[sflag:s20] =	ssyncset.done $0x0  }
0xb5: {  	[sflag:s20] =	ssyncadd.s32 $0xFFFFD800  }
0xb6: {  	[spmem:s1] =	stream.indirect.scatter.add.f32 [tilespmem:s17], [sflag:$0x3], $0x80, s21, s16, $0xb8;
	[tilespmem:$0x1E400] =	vst v63  }
0xb7: {  	_ =	swait.ge [sflag:s14], $0x2800  }
0xb8: {  	[sflag:s14] =	ssyncset.done $0x0  }
0xb9: {  	[sflag:s14] =	ssyncadd.s32 $0xFFFFD800  }
0xba: {  	s25 =	sadd.s32 $0x1, s25;
	_ =	swait.ge [sflag:s22], $0x2800  }
0xbb: {  	p0 =	sne.s32 s25, $0x5;
	[sflag:s22] =	ssyncset.done $0x0  }
.Ltmp5:
0xbc: {  	[sflag:s22] =	ssyncadd.s32 $0xFFFFD800;
	(pc) =	sbr.rel @p0 .LBB2_8-.Ltmp5, $4  }
0xbd: {  	[spmem:s1] =	stream.indirect.scatter.add.f32 [tilespmem:s19], [sflag:$0x3], $0x80, s23, s16, $0xb8;
	[tilespmem:$0x1E400] =	vst v63  }
0xbe: {  	_ =	swait.ge [sflag:s14], $0x2800  }
0xbf: {  	[sflag:s14] =	ssyncset.done $0x0  }
0xc0: {  	[sflag:s14] =	ssyncadd.s32 $0xFFFFD800  }
0xc1: {  	[bflag:$0x0] =	sbarrier.arrive $0xFFFF  }
0xc2: {  	s0 =	rddreg [dreg:$0x4]  }
0xc3: {  	[hbm:s0], [sflag:s8] =	dma.local [spmem:s13], $0x2800  }
0xc4: {  	_ =	swait.ge [sflag:s14], $0x2800  }
0xc5: {  	s2 =	sadd.s32 $0x1, s2;
	s31 =	rddreg [dreg:$0x5]  }
0xc6: {  	p0 =	sne.s32 s2, s31  }
.Ltmp6:
0xc7: {  	_ = 	snop;
	(pc) =	sbr.rel @p0 .LBB2_1-.Ltmp6, $3  }
0xc8: {  	[sflag:s14] =	ssyncset.done $0x0  }
0xc9: {  	[sflag:s14] =	ssyncadd.s32 $0xFFFFD800  }
0xca: {  	[bflag:$0x0] =	sbarrier.arrive $0xFFFF;
	_ =	sdelay $0x1  }
0xcb: {  	_ =	sfence.sel $0x180000  }
0xcc: {  	[bflag:$0x0] =	sbarrier.arrive $0xFFFF  }
0xcd: {  	_ =	strace $0x9000004A  }
0xce: {  	s0 =	stileid.u32;
	[bflag:$0x2] =	sbarrier.arrive $0xFFFF  }
0xcf: {  	p0 =	sne.s32 s0, $0x0;
	s0 =	rddreg [dreg:$0x2]  }
0xd0: {  	s0 =	sadd.s32 @!p0 $0x100000, s0  }
0xd1: {  	[sflag:s0] =	ssyncadd.tile.s32 @!p0 $0x1;
	_ =	shalt  }
.Lfunc_end2:
_tile_overlayer_lowered:
.L_overlay_start_2:
0xd2: {  	(tag) =	ssettag $0x2  }
0xd3: {  	s0 =	rddreg [dreg:$0x0];
	s2 =	stileid.u32  }
0xd4: {  	s1 =	rddreg [dreg:$0x1];
	p0 =	sne.s32 s2, $0x0  }
0xd5: {  	s3 =	rddreg [dreg:$0x2];
	[bflag:$0x3] =	sbarrier.arrive $0xFFFF;
	s2 =	simm.s32 @!p0 $0x1C03  }
0xd6: {  	[timem:s3], [sflag:s2] =	dma.local @!p0 [hbm:s0], s1  }
0xd7: {  	s0 =	simm.s32 @!p0 $0x3  }
0xd8: {  	_ =	swait.ge @!p0 [sflag:s0], s1  }
0xd9: {  	s1 =	ssub.s32 @!p0 $0x0, s1;
	[sflag:s0] =	ssyncset.done @!p0 $0x0  }
0xda: {  	[sflag:s0] =	ssyncadd.s32 @!p0 s1  }
0xdb: {  	[bflag:$0x3] =	sbarrier.arrive $0xFFFF  }
0xdc: {  	_ =	shalt  }

</sc_bundles>
